<compile_context>
chip_gen: v7x
topology: tpu7x:2x2x1
jax: 0.10.2.dev20260603
libtpu: 0.0.44.dev20260713+nightly
codegen_flags: <defaults>
</compile_context>

<pallas_src>
import functools

import jax
import jax.numpy as jnp
from jax import lax
from jax.experimental import pallas as pl
from jax.experimental.pallas import tpu as pltpu
from jax.experimental.pallas import tpu_sc as plsc

DIM = 1024
INTER = 256
E = 64
T = 2048
BLK = 128
NBLK = 96
NSLOT = NBLK * BLK


def _pack16(v16):
    h = v16.shape[1] // 2
    au = lax.bitcast_convert_type(v16[:, :h], jnp.uint16).astype(jnp.uint32)
    bu = lax.bitcast_convert_type(v16[:, h:], jnp.uint16).astype(jnp.uint32)
    return au | (bu << 16)


def _unpack16(w):
    lo = lax.bitcast_convert_type((w & 0xFFFF).astype(jnp.uint16), jnp.bfloat16)
    hi = lax.bitcast_convert_type((w >> 16).astype(jnp.uint16), jnp.bfloat16)
    return jnp.concatenate([lo, hi], axis=1).astype(jnp.float32)


def _gating_meta_body(x_ref, gw_ref, tw_ref, dest_ref, be_ref, nb_ref, xb_ref):
    xx = x_ref[...]
    gw = gw_ref[...]
    xb_ref[...] = _pack16(xx.astype(jnp.bfloat16))
    logits = lax.dot_general(xx, gw, (((1,), (1,)), ((), ())),
                             preferred_element_type=jnp.float32)
    iota_e = lax.broadcasted_iota(jnp.int32, (T, E), 1)
    m1 = jnp.max(logits, axis=1, keepdims=True)
    i1 = jnp.min(jnp.where(logits >= m1, iota_e, E), axis=1, keepdims=True)
    O0 = iota_e == i1
    l2 = jnp.where(O0, -jnp.inf, logits)
    m2 = jnp.max(l2, axis=1, keepdims=True)
    i2 = jnp.min(jnp.where(l2 >= m2, iota_e, E), axis=1, keepdims=True)
    O1 = iota_e == i2
    r = jnp.exp(m2 - m1)
    w0 = 1.0 / (1.0 + r)
    tw_ref[:, 0:1] = w0
    tw_ref[:, 1:2] = 1.0 - w0

    O0f = O0.astype(jnp.float32)
    O1f = O1.astype(jnp.float32)
    ri = lax.broadcasted_iota(jnp.int32, (256, 256), 0)
    ci = lax.broadcasted_iota(jnp.int32, (256, 256), 1)
    Ls = (ci < ri).astype(jnp.float32)
    c0 = jnp.zeros((1, E), jnp.float32)
    c1 = jnp.zeros((1, E), jnp.float32)
    ex0, ex1 = [], []
    for b in range(T // 256):
        O0b = O0f[b * 256:(b + 1) * 256]
        O1b = O1f[b * 256:(b + 1) * 256]
        ex0.append(lax.dot_general(Ls, O0b, (((1,), (0,)), ((), ())),
                                   preferred_element_type=jnp.float32) + c0)
        ex1.append(lax.dot_general(Ls, O1b, (((1,), (0,)), ((), ())),
                                   preferred_element_type=jnp.float32) + c1)
        c0 = c0 + jnp.sum(O0b, axis=0, keepdims=True)
        c1 = c1 + jnp.sum(O1b, axis=0, keepdims=True)
    C0ex = jnp.concatenate(ex0, axis=0)
    C1ex = jnp.concatenate(ex1, axis=0)
    rank0 = C0ex + C1ex
    rank1 = C0ex + C1ex + O0f

    cnt = c0 + c1
    nb_e = jnp.floor((cnt + (BLK - 1.0)) * (1.0 / BLK))
    ri64 = lax.broadcasted_iota(jnp.int32, (E, E), 0)
    ci64 = lax.broadcasted_iota(jnp.int32, (E, E), 1)
    Us = (ri64 < ci64).astype(jnp.float32)
    exb = lax.dot_general(nb_e, Us, (((1,), (0,)), ((), ())),
                          preferred_element_type=jnp.float32)
    basep = BLK * exb
    dest0 = jnp.sum(O0f * (basep + rank0), axis=1, keepdims=True)
    dest1 = jnp.sum(O1f * (basep + rank1), axis=1, keepdims=True)
    dest_ref[:, 0:1] = dest0.astype(jnp.int32)
    dest_ref[:, 1:2] = dest1.astype(jnp.int32)

    bi = lax.broadcasted_iota(jnp.int32, (NBLK + 32, E), 0).astype(jnp.float32)
    cmp = (exb <= bi).astype(jnp.float32)
    be_ref[...] = (jnp.sum(cmp, axis=1, keepdims=True) - 1.0).astype(jnp.int32)
    nb_ref[...] = jnp.sum(nb_e, axis=1, keepdims=True).astype(jnp.int32)


def _gating_meta(x2, gate_w, interpret=False):
    return pl.pallas_call(
        _gating_meta_body,
        out_shape=(
            jax.ShapeDtypeStruct((T, 2), jnp.float32),
            jax.ShapeDtypeStruct((T, 2), jnp.int32),
            jax.ShapeDtypeStruct((NBLK + 32, 1), jnp.int32),
            jax.ShapeDtypeStruct((1, 1), jnp.int32),
            jax.ShapeDtypeStruct((T, DIM // 2), jnp.uint32),
        ),
        interpret=interpret,
    )(x2, gate_w)


def _make_scatter_x():
    mesh = plsc.VectorSubcoreMesh(core_axis_name="c", subcore_axis_name="s")
    tpw = T // 32

    @functools.partial(
        pl.kernel, mesh=mesh,
        out_type=jax.ShapeDtypeStruct((NSLOT, DIM // 2), jnp.uint32),
        scratch_types=[
            pltpu.VMEM((tpw,), jnp.int32),
            pltpu.VMEM((tpw,), jnp.int32),
            pltpu.VMEM((tpw, DIM // 2), jnp.uint32),
            pltpu.SemaphoreType.DMA,
        ],
    )
    def sca(xb16_hbm, destT_hbm, xs_hbm, idx0_v, idx1_v, rows_v, sem):
        wid = lax.axis_index("s") * 2 + lax.axis_index("c")
        t0 = wid * tpw
        pltpu.sync_copy(destT_hbm.at[0, pl.ds(t0, tpw)], idx0_v)
        pltpu.sync_copy(destT_hbm.at[1, pl.ds(t0, tpw)], idx1_v)
        pltpu.sync_copy(xb16_hbm.at[pl.ds(t0, tpw)], rows_v)
        pltpu.async_copy(rows_v, xs_hbm.at[idx0_v], sem).wait()
        pltpu.async_copy(rows_v, xs_hbm.at[idx1_v], sem).wait()

    return sca


def _ffn_body(be_s, nb_s, xs_ref, wu_ref, wg_ref, wd_ref, ys_ref):
    i = pl.program_id(0)

    @pl.when(i < nb_s[0])
    def _():
        xb = _unpack16(xs_ref[...])
        wu = wu_ref[0]
        wg = wg_ref[0]
        wd = wd_ref[0]
        up = lax.dot_general(xb, wu, (((1,), (1,)), ((), ())),
                             preferred_element_type=jnp.float32)
        gt = lax.dot_general(xb, wg, (((1,), (1,)), ((), ())),
                             preferred_element_type=jnp.float32)
        gt = 0.5 * gt * (1.0 + lax.erf(gt * 0.7071067811865476))
        h = up * gt
        y = lax.dot_general(h, wd, (((1,), (1,)), ((), ())),
                            preferred_element_type=jnp.float32)
        ys_ref[...] = _pack16(y.astype(jnp.bfloat16))


def _ffn_grouped(xs, be, nb, w_up, w_gate, w_down, interpret=False):
    grid_spec = pltpu.PrefetchScalarGridSpec(
        num_scalar_prefetch=2,
        grid=(NBLK,),
        in_specs=[
            pl.BlockSpec((BLK, DIM // 2),
                         lambda i, be, nb: (jnp.minimum(i, nb[0] - 1), 0)),
            pl.BlockSpec((1, INTER, DIM),
                         lambda i, be, nb: (be[jnp.minimum(i, nb[0] - 1)], 0, 0)),
            pl.BlockSpec((1, INTER, DIM),
                         lambda i, be, nb: (be[jnp.minimum(i, nb[0] - 1)], 0, 0)),
            pl.BlockSpec((1, DIM, INTER),
                         lambda i, be, nb: (be[jnp.minimum(i, nb[0] - 1)], 0, 0)),
        ],
        out_specs=pl.BlockSpec((BLK, DIM // 2),
                               lambda i, be, nb: (jnp.minimum(i, nb[0] - 1), 0)),
    )
    return pl.pallas_call(
        _ffn_body,
        grid_spec=grid_spec,
        out_shape=jax.ShapeDtypeStruct((NSLOT, DIM // 2), jnp.uint32),
        interpret=interpret,
    )(be, nb, xs, w_up, w_gate, w_down)


def _make_gather_y():
    mesh = plsc.VectorSubcoreMesh(core_axis_name="c", subcore_axis_name="s")
    tpw = T // 32

    @functools.partial(
        pl.kernel, mesh=mesh,
        out_type=jax.ShapeDtypeStruct((2, T, DIM // 2), jnp.uint32),
        scratch_types=[
            pltpu.VMEM((tpw,), jnp.int32),
            pltpu.VMEM((tpw, DIM // 2), jnp.uint32),
            pltpu.SemaphoreType.DMA,
        ],
    )
    def scb(ys_hbm, destT_hbm, yp_hbm, idx_v, rows_v, sem):
        wid = lax.axis_index("s") * 2 + lax.axis_index("c")
        t0 = wid * tpw
        pltpu.sync_copy(destT_hbm.at[0, pl.ds(t0, tpw)], idx_v)
        pltpu.async_copy(ys_hbm.at[idx_v], rows_v, sem).wait()
        pltpu.sync_copy(rows_v, yp_hbm.at[0, pl.ds(t0, tpw)])
        pltpu.sync_copy(destT_hbm.at[1, pl.ds(t0, tpw)], idx_v)
        pltpu.async_copy(ys_hbm.at[idx_v], rows_v, sem).wait()
        pltpu.sync_copy(rows_v, yp_hbm.at[1, pl.ds(t0, tpw)])

    return scb


def _combine_body(x_ref, swu_ref, swg_ref, swd_ref, yp_ref, tw_ref, out_ref):
    xb = x_ref[...]
    up = lax.dot_general(xb, swu_ref[...], (((1,), (1,)), ((), ())),
                         preferred_element_type=jnp.float32)
    gt = lax.dot_general(xb, swg_ref[...], (((1,), (1,)), ((), ())),
                         preferred_element_type=jnp.float32)
    gt = 0.5 * gt * (1.0 + lax.erf(gt * 0.7071067811865476))
    sh = lax.dot_general(up * gt, swd_ref[...], (((1,), (1,)), ((), ())),
                         preferred_element_type=jnp.float32)
    w0 = tw_ref[:, 0:1]
    w1 = tw_ref[:, 1:2]
    out_ref[...] = (sh + w0 * _unpack16(yp_ref[0])
                    + w1 * _unpack16(yp_ref[1]))


def _combine(x2, sw_up, sw_gate, sw_down, yp, tw, interpret=False):
    TB = 256
    return pl.pallas_call(
        _combine_body,
        grid=(T // TB,),
        in_specs=[
            pl.BlockSpec((TB, DIM), lambda i: (i, 0)),
            pl.BlockSpec((INTER, DIM), lambda i: (0, 0)),
            pl.BlockSpec((INTER, DIM), lambda i: (0, 0)),
            pl.BlockSpec((DIM, INTER), lambda i: (0, 0)),
            pl.BlockSpec((2, TB, DIM // 2), lambda i: (0, i, 0)),
            pl.BlockSpec((TB, 2), lambda i: (i, 0)),
        ],
        out_specs=pl.BlockSpec((TB, DIM), lambda i: (i, 0)),
        out_shape=jax.ShapeDtypeStruct((T, DIM), jnp.float32),
        interpret=interpret,
    )(x2, sw_up, sw_gate, sw_down, yp, tw)


def kernel(x, gate_w, w_up, w_gate, w_down, sw_up, sw_gate, sw_down):
    orig_shape = x.shape
    x2 = x.reshape(-1, orig_shape[-1])
    tw, dest, be, nb, xb16 = _gating_meta(x2, gate_w)
    destT = dest.T
    be_flat = be.reshape(-1)[:NBLK]
    nb_flat = nb.reshape(-1)
    xs = _make_scatter_x()(xb16, destT)
    ys = _ffn_grouped(xs, be_flat, nb_flat, w_up, w_gate, w_down)
    yp = _make_gather_y()(ys, destT)
    out = _combine(x2, sw_up, sw_gate, sw_down, yp, tw)
    return out.reshape(orig_shape)

# --- scband reference (transcript-rebuilt; emitter-appended) ---
"""Pipeline reference for scband-sigma-mo-e-37177236914769 (READ-ONLY COPY).

The authoritative reference and input builder live on the scoring server;
editing this copy changes nothing except your own understanding.
"""

import jax, jax.numpy as jnp
import numpy as np

DIM = 1024
INTER = 256
E = 64
K = 2
B = 1
S = 2048


def setup_inputs(seed: int = 0) -> dict:
    key = jax.random.key(seed)
    ks = jax.random.split(key, 8)
    s_d = 1.0 / np.sqrt(DIM)
    s_i = 1.0 / np.sqrt(INTER)
    x = jax.random.normal(ks[0], (B, S, DIM), dtype=jnp.float32)
    gate_w = jax.random.uniform(ks[1], (E, DIM), minval=-s_d, maxval=s_d, dtype=jnp.float32)
    w_up = jax.random.uniform(ks[2], (E, INTER, DIM), minval=-s_d, maxval=s_d, dtype=jnp.float32)
    w_gate = jax.random.uniform(ks[3], (E, INTER, DIM), minval=-s_d, maxval=s_d, dtype=jnp.float32)
    w_down = jax.random.uniform(ks[4], (E, DIM, INTER), minval=-s_i, maxval=s_i, dtype=jnp.float32)
    sw_up = jax.random.uniform(ks[5], (INTER, DIM), minval=-s_d, maxval=s_d, dtype=jnp.float32)
    sw_gate = jax.random.uniform(ks[6], (INTER, DIM), minval=-s_d, maxval=s_d, dtype=jnp.float32)
    sw_down = jax.random.uniform(ks[7], (DIM, INTER), minval=-s_i, maxval=s_i, dtype=jnp.float32)
    return {"x": x, "gate_w": gate_w, "w_up": w_up, "w_gate": w_gate, "w_down": w_down,
            "sw_up": sw_up, "sw_gate": sw_gate, "sw_down": sw_down}


def reference(x, gate_w, w_up, w_gate, w_down, sw_up, sw_gate, sw_down):
    orig_shape = x.shape
    xf = x.reshape(-1, orig_shape[-1])
    T = xf.shape[0]
    # SigmaGate
    logits = xf @ gate_w.T
    scores = jax.nn.softmax(logits, axis=-1)
    topk_weight, topk_idx = jax.lax.top_k(scores, K)
    denom = jnp.sum(topk_weight, axis=-1, keepdims=True) + 1e-20
    topk_weight = topk_weight / denom
    # combine weights per expert: [T, E] (scatter-add of topk weights)
    combine = jnp.zeros((T, E), dtype=xf.dtype).at[jnp.arange(T)[:, None], topk_idx].add(topk_weight)
    # routed experts (same math as per-expert gather/scatter inference path)
    up = jnp.einsum('td,eid->tei', xf, w_up)
    gt = jax.nn.gelu(jnp.einsum('td,eid->tei', xf, w_gate), approximate=False)
    h = up * gt
    y_exp = jnp.einsum('tei,edi->ted', h, w_down)
    y = jnp.einsum('te,ted->td', combine, y_exp)
    # shared expert on identity
    shared = (xf @ sw_up.T) * jax.nn.gelu(xf @ sw_gate.T, approximate=False)
    shared = shared @ sw_down.T
    out = (y + shared).reshape(orig_shape)
    return out

if __name__ == "__main__":
    import jax
    _d = setup_inputs()
    print(jax.jit(kernel)(*tuple(_d.values())))

</pallas_src>

<mosaic_0001>
#map = affine_map<(d0, d1) -> (0, 0)>
#map1 = affine_map<(d0, d1) -> (0, 0, 0)>
module attributes {stable_mosaic.version = 14 : i64} {
  func.func @scb(%arg0: i32, %arg1: i32, %arg2: memref<12288x512xi32, #tpu.memory_space<hbm>>, %arg3: memref<2x2048xi32, #tpu.memory_space<hbm>>, %arg4: memref<2x2048x512xi32, #tpu.memory_space<hbm>>, %arg5: memref<64xi32, #tpu.memory_space<vmem>>, %arg6: memref<64x512xi32, #tpu.memory_space<vmem>>, %arg7: memref<!tpu.dma_semaphore, #tpu.memory_space<semaphore_mem>>) attributes {dimension_semantics = [#tpu.dimension_semantics<core_parallel>, #tpu.dimension_semantics<subcore_parallel>], iteration_bounds = array<i64: 2, 16>, scalar_prefetch = 0 : i64, scratch_operands = 3 : i64, tpu.core_type = #tpu.core_type<sc_vector_subcore>, window_params = [{transform_indices = #map}, {transform_indices = #map}, {transform_indices = #map1}]} {
    %mul3A = arith.constant 2 : i32
    %mul3A_0 = arith.muli %arg1, %mul3A : i32
    %add3A = arith.addi %mul3A_0, %arg0 : i32
    %mul3A_1 = arith.constant 64 : i32
    %mul3A_2 = arith.muli %add3A, %mul3A_1 : i32
    %run_scoped3A = arith.constant 0 : i32
    "tpu.region"() ({
      %run_scoped3A_16 = tpu.sem_alloc : memref<!tpu.dma_semaphore, #tpu.memory_space<semaphore_mem>>
      %dma_start3A_17 = tpu.memref_slice %arg3[%run_scoped3A, %mul3A_2] : memref<2x2048xi32, #tpu.memory_space<hbm>> -> memref<1x64xi32, #tpu.memory_space<hbm>>
      %dma_start3A_18 = tpu.memref_squeeze %dma_start3A_17 : memref<1x64xi32, #tpu.memory_space<hbm>> -> memref<64xi32, #tpu.memory_space<hbm>>
      %dma_start3A_19 = tpu.memref_slice %arg3[%run_scoped3A, %mul3A_2] : memref<2x2048xi32, #tpu.memory_space<hbm>> -> memref<1x64xi32, #tpu.memory_space<hbm>>
      %dma_start3A_20 = tpu.memref_squeeze %dma_start3A_19 : memref<1x64xi32, #tpu.memory_space<hbm>> -> memref<64xi32, #tpu.memory_space<hbm>>
      tpu.enqueue_dma source(%dma_start3A_20 : memref<64xi32, #tpu.memory_space<hbm>>) target(%arg5 : memref<64xi32, #tpu.memory_space<vmem>>) target_semaphore(%run_scoped3A_16 : memref<!tpu.dma_semaphore, #tpu.memory_space<semaphore_mem>>)
      %dma_wait3A_21 = tpu.memref_slice %arg3[%run_scoped3A, %mul3A_2] : memref<2x2048xi32, #tpu.memory_space<hbm>> -> memref<1x64xi32, #tpu.memory_space<hbm>>
      %dma_wait3A_22 = tpu.memref_squeeze %dma_wait3A_21 : memref<1x64xi32, #tpu.memory_space<hbm>> -> memref<64xi32, #tpu.memory_space<hbm>>
      %dma_wait3A_23 = tpu.memref_slice %arg3[%run_scoped3A, %mul3A_2] : memref<2x2048xi32, #tpu.memory_space<hbm>> -> memref<1x64xi32, #tpu.memory_space<hbm>>
      %dma_wait3A_24 = tpu.memref_squeeze %dma_wait3A_23 : memref<1x64xi32, #tpu.memory_space<hbm>> -> memref<64xi32, #tpu.memory_space<hbm>>
      tpu.wait_dma2 semaphore(%run_scoped3A_16 : memref<!tpu.dma_semaphore, #tpu.memory_space<semaphore_mem>>) src(%dma_wait3A_24 : memref<64xi32, #tpu.memory_space<hbm>>) dst(%arg5 : memref<64xi32, #tpu.memory_space<vmem>>)
      tpu.yield
    }) : () -> ()
    %dma_start3A = arith.constant 0 : i32
    %dma_start3A_3 = arith.constant 0 : i32
    %dma_start3A_4 = tpu.memref_slice %arg2[%dma_start3A, %dma_start3A_3] : memref<12288x512xi32, #tpu.memory_space<hbm>> -> memref<12288x512xi32, #tpu.memory_space<hbm>>
    tpu.enqueue_indirect_dma source(%dma_start3A_4 : memref<12288x512xi32, #tpu.memory_space<hbm>>) target(%arg6 : memref<64x512xi32, #tpu.memory_space<vmem>>) offsets(%arg5 : memref<64xi32, #tpu.memory_space<vmem>>) semaphore(%arg7 : memref<!tpu.dma_semaphore, #tpu.memory_space<semaphore_mem>>)
    %dma_wait3A = arith.constant 0 : i32
    %dma_wait3A_5 = arith.constant 0 : i32
    %dma_wait3A_6 = tpu.memref_slice %arg2[%dma_wait3A, %dma_wait3A_5] : memref<12288x512xi32, #tpu.memory_space<hbm>> -> memref<12288x512xi32, #tpu.memory_space<hbm>>
    tpu.wait_indirect_dma semaphore(%arg7 : memref<!tpu.dma_semaphore, #tpu.memory_space<semaphore_mem>>) src(%dma_wait3A_6 : memref<12288x512xi32, #tpu.memory_space<hbm>>) dst(%arg6 : memref<64x512xi32, #tpu.memory_space<vmem>>)
    %run_scoped3A_7 = arith.constant 0 : i32
    "tpu.region"() ({
      %run_scoped3A_16 = tpu.sem_alloc : memref<!tpu.dma_semaphore, #tpu.memory_space<semaphore_mem>>
      %dma_start3A_17 = arith.constant 0 : i32
      %dma_start3A_18 = tpu.memref_slice %arg4[%run_scoped3A_7, %mul3A_2, %dma_start3A_17] : memref<2x2048x512xi32, #tpu.memory_space<hbm>> -> memref<1x64x512xi32, #tpu.memory_space<hbm>>
      %dma_start3A_19 = tpu.memref_squeeze %dma_start3A_18 : memref<1x64x512xi32, #tpu.memory_space<hbm>> -> memref<64x512xi32, #tpu.memory_space<hbm>>
      %dma_start3A_20 = arith.constant 0 : i32
      %dma_start3A_21 = tpu.memref_slice %arg4[%run_scoped3A_7, %mul3A_2, %dma_start3A_20] : memref<2x2048x512xi32, #tpu.memory_space<hbm>> -> memref<1x64x512xi32, #tpu.memory_space<hbm>>
      %dma_start3A_22 = tpu.memref_squeeze %dma_start3A_21 : memref<1x64x512xi32, #tpu.memory_space<hbm>> -> memref<64x512xi32, #tpu.memory_space<hbm>>
      tpu.enqueue_dma source(%arg6 : memref<64x512xi32, #tpu.memory_space<vmem>>) target(%dma_start3A_22 : memref<64x512xi32, #tpu.memory_space<hbm>>) target_semaphore(%run_scoped3A_16 : memref<!tpu.dma_semaphore, #tpu.memory_space<semaphore_mem>>)
      %dma_wait3A_23 = arith.constant 0 : i32
      %dma_wait3A_24 = tpu.memref_slice %arg4[%run_scoped3A_7, %mul3A_2, %dma_wait3A_23] : memref<2x2048x512xi32, #tpu.memory_space<hbm>> -> memref<1x64x512xi32, #tpu.memory_space<hbm>>
      %dma_wait3A_25 = tpu.memref_squeeze %dma_wait3A_24 : memref<1x64x512xi32, #tpu.memory_space<hbm>> -> memref<64x512xi32, #tpu.memory_space<hbm>>
      %dma_wait3A_26 = arith.constant 0 : i32
      %dma_wait3A_27 = tpu.memref_slice %arg4[%run_scoped3A_7, %mul3A_2, %dma_wait3A_26] : memref<2x2048x512xi32, #tpu.memory_space<hbm>> -> memref<1x64x512xi32, #tpu.memory_space<hbm>>
      %dma_wait3A_28 = tpu.memref_squeeze %dma_wait3A_27 : memref<1x64x512xi32, #tpu.memory_space<hbm>> -> memref<64x512xi32, #tpu.memory_space<hbm>>
      tpu.wait_dma2 semaphore(%run_scoped3A_16 : memref<!tpu.dma_semaphore, #tpu.memory_space<semaphore_mem>>) src(%arg6 : memref<64x512xi32, #tpu.memory_space<vmem>>) dst(%dma_wait3A_28 : memref<64x512xi32, #tpu.memory_space<hbm>>)
      tpu.yield
    }) : () -> ()
    %run_scoped3A_8 = arith.constant 1 : i32
    "tpu.region"() ({
      %run_scoped3A_16 = tpu.sem_alloc : memref<!tpu.dma_semaphore, #tpu.memory_space<semaphore_mem>>
      %dma_start3A_17 = tpu.memref_slice %arg3[%run_scoped3A_8, %mul3A_2] : memref<2x2048xi32, #tpu.memory_space<hbm>> -> memref<1x64xi32, #tpu.memory_space<hbm>>
      %dma_start3A_18 = tpu.memref_squeeze %dma_start3A_17 : memref<1x64xi32, #tpu.memory_space<hbm>> -> memref<64xi32, #tpu.memory_space<hbm>>
      %dma_start3A_19 = tpu.memref_slice %arg3[%run_scoped3A_8, %mul3A_2] : memref<2x2048xi32, #tpu.memory_space<hbm>> -> memref<1x64xi32, #tpu.memory_space<hbm>>
      %dma_start3A_20 = tpu.memref_squeeze %dma_start3A_19 : memref<1x64xi32, #tpu.memory_space<hbm>> -> memref<64xi32, #tpu.memory_space<hbm>>
      tpu.enqueue_dma source(%dma_start3A_20 : memref<64xi32, #tpu.memory_space<hbm>>) target(%arg5 : memref<64xi32, #tpu.memory_space<vmem>>) target_semaphore(%run_scoped3A_16 : memref<!tpu.dma_semaphore, #tpu.memory_space<semaphore_mem>>)
      %dma_wait3A_21 = tpu.memref_slice %arg3[%run_scoped3A_8, %mul3A_2] : memref<2x2048xi32, #tpu.memory_space<hbm>> -> memref<1x64xi32, #tpu.memory_space<hbm>>
      %dma_wait3A_22 = tpu.memref_squeeze %dma_wait3A_21 : memref<1x64xi32, #tpu.memory_space<hbm>> -> memref<64xi32, #tpu.memory_space<hbm>>
      %dma_wait3A_23 = tpu.memref_slice %arg3[%run_scoped3A_8, %mul3A_2] : memref<2x2048xi32, #tpu.memory_space<hbm>> -> memref<1x64xi32, #tpu.memory_space<hbm>>
      %dma_wait3A_24 = tpu.memref_squeeze %dma_wait3A_23 : memref<1x64xi32, #tpu.memory_space<hbm>> -> memref<64xi32, #tpu.memory_space<hbm>>
      tpu.wait_dma2 semaphore(%run_scoped3A_16 : memref<!tpu.dma_semaphore, #tpu.memory_space<semaphore_mem>>) src(%dma_wait3A_24 : memref<64xi32, #tpu.memory_space<hbm>>) dst(%arg5 : memref<64xi32, #tpu.memory_space<vmem>>)
      tpu.yield
    }) : () -> ()
    %dma_start3A_9 = arith.constant 0 : i32
    %dma_start3A_10 = arith.constant 0 : i32
    %dma_start3A_11 = tpu.memref_slice %arg2[%dma_start3A_9, %dma_start3A_10] : memref<12288x512xi32, #tpu.memory_space<hbm>> -> memref<12288x512xi32, #tpu.memory_space<hbm>>
    tpu.enqueue_indirect_dma source(%dma_start3A_11 : memref<12288x512xi32, #tpu.memory_space<hbm>>) target(%arg6 : memref<64x512xi32, #tpu.memory_space<vmem>>) offsets(%arg5 : memref<64xi32, #tpu.memory_space<vmem>>) semaphore(%arg7 : memref<!tpu.dma_semaphore, #tpu.memory_space<semaphore_mem>>)
    %dma_wait3A_12 = arith.constant 0 : i32
    %dma_wait3A_13 = arith.constant 0 : i32
    %dma_wait3A_14 = tpu.memref_slice %arg2[%dma_wait3A_12, %dma_wait3A_13] : memref<12288x512xi32, #tpu.memory_space<hbm>> -> memref<12288x512xi32, #tpu.memory_space<hbm>>
    tpu.wait_indirect_dma semaphore(%arg7 : memref<!tpu.dma_semaphore, #tpu.memory_space<semaphore_mem>>) src(%dma_wait3A_14 : memref<12288x512xi32, #tpu.memory_space<hbm>>) dst(%arg6 : memref<64x512xi32, #tpu.memory_space<vmem>>)
    %run_scoped3A_15 = arith.constant 1 : i32
    "tpu.region"() ({
      %run_scoped3A_16 = tpu.sem_alloc : memref<!tpu.dma_semaphore, #tpu.memory_space<semaphore_mem>>
      %dma_start3A_17 = arith.constant 0 : i32
      %dma_start3A_18 = tpu.memref_slice %arg4[%run_scoped3A_15, %mul3A_2, %dma_start3A_17] : memref<2x2048x512xi32, #tpu.memory_space<hbm>> -> memref<1x64x512xi32, #tpu.memory_space<hbm>>
      %dma_start3A_19 = tpu.memref_squeeze %dma_start3A_18 : memref<1x64x512xi32, #tpu.memory_space<hbm>> -> memref<64x512xi32, #tpu.memory_space<hbm>>
      %dma_start3A_20 = arith.constant 0 : i32
      %dma_start3A_21 = tpu.memref_slice %arg4[%run_scoped3A_15, %mul3A_2, %dma_start3A_20] : memref<2x2048x512xi32, #tpu.memory_space<hbm>> -> memref<1x64x512xi32, #tpu.memory_space<hbm>>
      %dma_start3A_22 = tpu.memref_squeeze %dma_start3A_21 : memref<1x64x512xi32, #tpu.memory_space<hbm>> -> memref<64x512xi32, #tpu.memory_space<hbm>>
      tpu.enqueue_dma source(%arg6 : memref<64x512xi32, #tpu.memory_space<vmem>>) target(%dma_start3A_22 : memref<64x512xi32, #tpu.memory_space<hbm>>) target_semaphore(%run_scoped3A_16 : memref<!tpu.dma_semaphore, #tpu.memory_space<semaphore_mem>>)
      %dma_wait3A_23 = arith.constant 0 : i32
      %dma_wait3A_24 = tpu.memref_slice %arg4[%run_scoped3A_15, %mul3A_2, %dma_wait3A_23] : memref<2x2048x512xi32, #tpu.memory_space<hbm>> -> memref<1x64x512xi32, #tpu.memory_space<hbm>>
      %dma_wait3A_25 = tpu.memref_squeeze %dma_wait3A_24 : memref<1x64x512xi32, #tpu.memory_space<hbm>> -> memref<64x512xi32, #tpu.memory_space<hbm>>
      %dma_wait3A_26 = arith.constant 0 : i32
      %dma_wait3A_27 = tpu.memref_slice %arg4[%run_scoped3A_15, %mul3A_2, %dma_wait3A_26] : memref<2x2048x512xi32, #tpu.memory_space<hbm>> -> memref<1x64x512xi32, #tpu.memory_space<hbm>>
      %dma_wait3A_28 = tpu.memref_squeeze %dma_wait3A_27 : memref<1x64x512xi32, #tpu.memory_space<hbm>> -> memref<64x512xi32, #tpu.memory_space<hbm>>
      tpu.wait_dma2 semaphore(%run_scoped3A_16 : memref<!tpu.dma_semaphore, #tpu.memory_space<semaphore_mem>>) src(%arg6 : memref<64x512xi32, #tpu.memory_space<vmem>>) dst(%dma_wait3A_28 : memref<64x512xi32, #tpu.memory_space<hbm>>)
      tpu.yield
    }) : () -> ()
    return
  }
}

#map = affine_map<(d0, d1) -> (0, 0)>
module attributes {stable_mosaic.version = 14 : i64} {
  func.func @sca(%arg0: i32, %arg1: i32, %arg2: memref<2048x512xi32, #tpu.memory_space<hbm>>, %arg3: memref<2x2048xi32, #tpu.memory_space<hbm>>, %arg4: memref<12288x512xi32, #tpu.memory_space<hbm>>, %arg5: memref<64xi32, #tpu.memory_space<vmem>>, %arg6: memref<64xi32, #tpu.memory_space<vmem>>, %arg7: memref<64x512xi32, #tpu.memory_space<vmem>>, %arg8: memref<!tpu.dma_semaphore, #tpu.memory_space<semaphore_mem>>) attributes {dimension_semantics = [#tpu.dimension_semantics<core_parallel>, #tpu.dimension_semantics<subcore_parallel>], iteration_bounds = array<i64: 2, 16>, scalar_prefetch = 0 : i64, scratch_operands = 4 : i64, tpu.core_type = #tpu.core_type<sc_vector_subcore>, window_params = [{transform_indices = #map}, {transform_indices = #map}, {transform_indices = #map}]} {
    %mul3A = arith.constant 2 : i32
    %mul3A_0 = arith.muli %arg1, %mul3A : i32
    %add3A = arith.addi %mul3A_0, %arg0 : i32
    %mul3A_1 = arith.constant 64 : i32
    %mul3A_2 = arith.muli %add3A, %mul3A_1 : i32
    %run_scoped3A = arith.constant 0 : i32
    "tpu.region"() ({
      %run_scoped3A_14 = tpu.sem_alloc : memref<!tpu.dma_semaphore, #tpu.memory_space<semaphore_mem>>
      %dma_start3A_15 = tpu.memref_slice %arg3[%run_scoped3A, %mul3A_2] : memref<2x2048xi32, #tpu.memory_space<hbm>> -> memref<1x64xi32, #tpu.memory_space<hbm>>
      %dma_start3A_16 = tpu.memref_squeeze %dma_start3A_15 : memref<1x64xi32, #tpu.memory_space<hbm>> -> memref<64xi32, #tpu.memory_space<hbm>>
      %dma_start3A_17 = tpu.memref_slice %arg3[%run_scoped3A, %mul3A_2] : memref<2x2048xi32, #tpu.memory_space<hbm>> -> memref<1x64xi32, #tpu.memory_space<hbm>>
      %dma_start3A_18 = tpu.memref_squeeze %dma_start3A_17 : memref<1x64xi32, #tpu.memory_space<hbm>> -> memref<64xi32, #tpu.memory_space<hbm>>
      tpu.enqueue_dma source(%dma_start3A_18 : memref<64xi32, #tpu.memory_space<hbm>>) target(%arg5 : memref<64xi32, #tpu.memory_space<vmem>>) target_semaphore(%run_scoped3A_14 : memref<!tpu.dma_semaphore, #tpu.memory_space<semaphore_mem>>)
      %dma_wait3A_19 = tpu.memref_slice %arg3[%run_scoped3A, %mul3A_2] : memref<2x2048xi32, #tpu.memory_space<hbm>> -> memref<1x64xi32, #tpu.memory_space<hbm>>
      %dma_wait3A_20 = tpu.memref_squeeze %dma_wait3A_19 : memref<1x64xi32, #tpu.memory_space<hbm>> -> memref<64xi32, #tpu.memory_space<hbm>>
      %dma_wait3A_21 = tpu.memref_slice %arg3[%run_scoped3A, %mul3A_2] : memref<2x2048xi32, #tpu.memory_space<hbm>> -> memref<1x64xi32, #tpu.memory_space<hbm>>
      %dma_wait3A_22 = tpu.memref_squeeze %dma_wait3A_21 : memref<1x64xi32, #tpu.memory_space<hbm>> -> memref<64xi32, #tpu.memory_space<hbm>>
      tpu.wait_dma2 semaphore(%run_scoped3A_14 : memref<!tpu.dma_semaphore, #tpu.memory_space<semaphore_mem>>) src(%dma_wait3A_22 : memref<64xi32, #tpu.memory_space<hbm>>) dst(%arg5 : memref<64xi32, #tpu.memory_space<vmem>>)
      tpu.yield
    }) : () -> ()
    %run_scoped3A_3 = arith.constant 1 : i32
    "tpu.region"() ({
      %run_scoped3A_14 = tpu.sem_alloc : memref<!tpu.dma_semaphore, #tpu.memory_space<semaphore_mem>>
      %dma_start3A_15 = tpu.memref_slice %arg3[%run_scoped3A_3, %mul3A_2] : memref<2x2048xi32, #tpu.memory_space<hbm>> -> memref<1x64xi32, #tpu.memory_space<hbm>>
      %dma_start3A_16 = tpu.memref_squeeze %dma_start3A_15 : memref<1x64xi32, #tpu.memory_space<hbm>> -> memref<64xi32, #tpu.memory_space<hbm>>
      %dma_start3A_17 = tpu.memref_slice %arg3[%run_scoped3A_3, %mul3A_2] : memref<2x2048xi32, #tpu.memory_space<hbm>> -> memref<1x64xi32, #tpu.memory_space<hbm>>
      %dma_start3A_18 = tpu.memref_squeeze %dma_start3A_17 : memref<1x64xi32, #tpu.memory_space<hbm>> -> memref<64xi32, #tpu.memory_space<hbm>>
      tpu.enqueue_dma source(%dma_start3A_18 : memref<64xi32, #tpu.memory_space<hbm>>) target(%arg6 : memref<64xi32, #tpu.memory_space<vmem>>) target_semaphore(%run_scoped3A_14 : memref<!tpu.dma_semaphore, #tpu.memory_space<semaphore_mem>>)
      %dma_wait3A_19 = tpu.memref_slice %arg3[%run_scoped3A_3, %mul3A_2] : memref<2x2048xi32, #tpu.memory_space<hbm>> -> memref<1x64xi32, #tpu.memory_space<hbm>>
      %dma_wait3A_20 = tpu.memref_squeeze %dma_wait3A_19 : memref<1x64xi32, #tpu.memory_space<hbm>> -> memref<64xi32, #tpu.memory_space<hbm>>
      %dma_wait3A_21 = tpu.memref_slice %arg3[%run_scoped3A_3, %mul3A_2] : memref<2x2048xi32, #tpu.memory_space<hbm>> -> memref<1x64xi32, #tpu.memory_space<hbm>>
      %dma_wait3A_22 = tpu.memref_squeeze %dma_wait3A_21 : memref<1x64xi32, #tpu.memory_space<hbm>> -> memref<64xi32, #tpu.memory_space<hbm>>
      tpu.wait_dma2 semaphore(%run_scoped3A_14 : memref<!tpu.dma_semaphore, #tpu.memory_space<semaphore_mem>>) src(%dma_wait3A_22 : memref<64xi32, #tpu.memory_space<hbm>>) dst(%arg6 : memref<64xi32, #tpu.memory_space<vmem>>)
      tpu.yield
    }) : () -> ()
    "tpu.region"() ({
      %run_scoped3A_14 = tpu.sem_alloc : memref<!tpu.dma_semaphore, #tpu.memory_space<semaphore_mem>>
      %dma_start3A_15 = arith.constant 0 : i32
      %dma_start3A_16 = tpu.memref_slice %arg2[%mul3A_2, %dma_start3A_15] : memref<2048x512xi32, #tpu.memory_space<hbm>> -> memref<64x512xi32, #tpu.memory_space<hbm>>
      %dma_start3A_17 = arith.constant 0 : i32
      %dma_start3A_18 = tpu.memref_slice %arg2[%mul3A_2, %dma_start3A_17] : memref<2048x512xi32, #tpu.memory_space<hbm>> -> memref<64x512xi32, #tpu.memory_space<hbm>>
      tpu.enqueue_dma source(%dma_start3A_18 : memref<64x512xi32, #tpu.memory_space<hbm>>) target(%arg7 : memref<64x512xi32, #tpu.memory_space<vmem>>) target_semaphore(%run_scoped3A_14 : memref<!tpu.dma_semaphore, #tpu.memory_space<semaphore_mem>>)
      %dma_wait3A_19 = arith.constant 0 : i32
      %dma_wait3A_20 = tpu.memref_slice %arg2[%mul3A_2, %dma_wait3A_19] : memref<2048x512xi32, #tpu.memory_space<hbm>> -> memref<64x512xi32, #tpu.memory_space<hbm>>
      %dma_wait3A_21 = arith.constant 0 : i32
      %dma_wait3A_22 = tpu.memref_slice %arg2[%mul3A_2, %dma_wait3A_21] : memref<2048x512xi32, #tpu.memory_space<hbm>> -> memref<64x512xi32, #tpu.memory_space<hbm>>
      tpu.wait_dma2 semaphore(%run_scoped3A_14 : memref<!tpu.dma_semaphore, #tpu.memory_space<semaphore_mem>>) src(%dma_wait3A_22 : memref<64x512xi32, #tpu.memory_space<hbm>>) dst(%arg7 : memref<64x512xi32, #tpu.memory_space<vmem>>)
      tpu.yield
    }) : () -> ()
    %dma_start3A = arith.constant 0 : i32
    %dma_start3A_4 = arith.constant 0 : i32
    %dma_start3A_5 = tpu.memref_slice %arg4[%dma_start3A, %dma_start3A_4] : memref<12288x512xi32, #tpu.memory_space<hbm>> -> memref<12288x512xi32, #tpu.memory_space<hbm>>
    tpu.enqueue_indirect_dma source(%arg7 : memref<64x512xi32, #tpu.memory_space<vmem>>) target(%dma_start3A_5 : memref<12288x512xi32, #tpu.memory_space<hbm>>) offsets(%arg5 : memref<64xi32, #tpu.memory_space<vmem>>) semaphore(%arg8 : memref<!tpu.dma_semaphore, #tpu.memory_space<semaphore_mem>>)
    %dma_wait3A = arith.constant 0 : i32
    %dma_wait3A_6 = arith.constant 0 : i32
    %dma_wait3A_7 = tpu.memref_slice %arg4[%dma_wait3A, %dma_wait3A_6] : memref<12288x512xi32, #tpu.memory_space<hbm>> -> memref<12288x512xi32, #tpu.memory_space<hbm>>
    tpu.wait_indirect_dma semaphore(%arg8 : memref<!tpu.dma_semaphore, #tpu.memory_space<semaphore_mem>>) src(%arg7 : memref<64x512xi32, #tpu.memory_space<vmem>>) dst(%dma_wait3A_7 : memref<12288x512xi32, #tpu.memory_space<hbm>>)
    %dma_start3A_8 = arith.constant 0 : i32
    %dma_start3A_9 = arith.constant 0 : i32
    %dma_start3A_10 = tpu.memref_slice %arg4[%dma_start3A_8, %dma_start3A_9] : memref<12288x512xi32, #tpu.memory_space<hbm>> -> memref<12288x512xi32, #tpu.memory_space<hbm>>
    tpu.enqueue_indirect_dma source(%arg7 : memref<64x512xi32, #tpu.memory_space<vmem>>) target(%dma_start3A_10 : memref<12288x512xi32, #tpu.memory_space<hbm>>) offsets(%arg6 : memref<64xi32, #tpu.memory_space<vmem>>) semaphore(%arg8 : memref<!tpu.dma_semaphore, #tpu.memory_space<semaphore_mem>>)
    %dma_wait3A_11 = arith.constant 0 : i32
    %dma_wait3A_12 = arith.constant 0 : i32
    %dma_wait3A_13 = tpu.memref_slice %arg4[%dma_wait3A_11, %dma_wait3A_12] : memref<12288x512xi32, #tpu.memory_space<hbm>> -> memref<12288x512xi32, #tpu.memory_space<hbm>>
    tpu.wait_indirect_dma semaphore(%arg8 : memref<!tpu.dma_semaphore, #tpu.memory_space<semaphore_mem>>) src(%arg7 : memref<64x512xi32, #tpu.memory_space<vmem>>) dst(%dma_wait3A_13 : memref<12288x512xi32, #tpu.memory_space<hbm>>)
    return
  }
}

module attributes {stable_mosaic.version = 14 : i64} {
  func.func @_ffn_body(%arg0: i32, %arg1: memref<96xi32, #tpu.memory_space<smem>>, %arg2: memref<1xi32, #tpu.memory_space<smem>>, %arg3: memref<128x512xi32, #tpu.memory_space<vmem>>, %arg4: memref<1x256x1024xf32, #tpu.memory_space<vmem>>, %arg5: memref<1x256x1024xf32, #tpu.memory_space<vmem>>, %arg6: memref<1x1024x256xf32, #tpu.memory_space<vmem>>, %arg7: memref<128x512xi32, #tpu.memory_space<vmem>>) attributes {dimension_semantics = [#tpu.dimension_semantics<arbitrary>], iteration_bounds = array<i64: 96>, scalar_prefetch = 2 : i64, scratch_operands = 0 : i64, tpu.core_type = #tpu.core_type<tc>, window_params = [{transform_indices = @transform_0, window_bounds = array<i64: 128, 512>}, {transform_indices = @transform_1, window_bounds = array<i64: 1, 256, 1024>}, {transform_indices = @transform_2, window_bounds = array<i64: 1, 256, 1024>}, {transform_indices = @transform_3, window_bounds = array<i64: 1, 1024, 256>}, {transform_indices = @transform_4, window_bounds = array<i64: 128, 512>}]} {
    %get3A = arith.constant 0 : index
    %get3A_0 = memref.load %arg2[%get3A] : memref<1xi32, #tpu.memory_space<smem>>
    %lt3A = arith.cmpi slt, %arg0, %get3A_0 : i32
    %convert_element_type3A = arith.extui %lt3A : i1 to i32
    %cond3A = arith.constant 0 : i32
    %cond3A_1 = arith.cmpi ne, %convert_element_type3A, %cond3A : i32
    scf.if %cond3A_1 {
      %get3A_2 = arith.constant 0 : index
      %get3A_3 = arith.constant 0 : index
      %get3A_4 = vector.load %arg3[%get3A_2, %get3A_3] : memref<128x512xi32, #tpu.memory_space<vmem>>, vector<128x512xi32>
      %and3A = arith.constant 65535 : i32
      %and3A_5 = vector.broadcast %and3A : i32 to vector<128x512xi32>
      %and3A_6 = arith.andi %get3A_4, %and3A_5 : vector<128x512xi32>
      %convert_element_type3A_7 = arith.trunci %and3A_6 : vector<128x512xi32> to vector<128x512xi16>
      %bitcast_convert_type3A = tpu.bitcast %convert_element_type3A_7 : vector<128x512xi16> -> vector<128x512xbf16>
      %shift_right_logical3A = arith.constant 16 : i32
      %shift_right_logical3A_8 = vector.broadcast %shift_right_logical3A : i32 to vector<128x512xi32>
      %shift_right_logical3A_9 = arith.shrui %get3A_4, %shift_right_logical3A_8 : vector<128x512xi32>
      %convert_element_type3A_10 = arith.trunci %shift_right_logical3A_9 : vector<128x512xi32> to vector<128x512xi16>
      %bitcast_convert_type3A_11 = tpu.bitcast %convert_element_type3A_10 : vector<128x512xi16> -> vector<128x512xbf16>
      %concatenate3A = tpu.concatenate %bitcast_convert_type3A, %bitcast_convert_type3A_11 in 1 : vector<128x512xbf16>, vector<128x512xbf16> -> vector<128x1024xbf16>
      %convert_element_type3A_12 = arith.extf %concatenate3A : vector<128x1024xbf16> to vector<128x1024xf32>
      %get3A_13 = arith.constant 0 : index
      %get3A_14 = arith.constant 0 : index
      %get3A_15 = arith.constant 0 : index
      %get3A_16 = vector.load %arg4[%get3A_13, %get3A_14, %get3A_15] : memref<1x256x1024xf32, #tpu.memory_space<vmem>>, vector<1x256x1024xf32>
      %get3A_17 = vector.shape_cast %get3A_16 : vector<1x256x1024xf32> to vector<256x1024xf32>
      %get3A_18 = arith.constant 0 : index
      %get3A_19 = arith.constant 0 : index
      %get3A_20 = arith.constant 0 : index
      %get3A_21 = vector.load %arg5[%get3A_18, %get3A_19, %get3A_20] : memref<1x256x1024xf32, #tpu.memory_space<vmem>>, vector<1x256x1024xf32>
      %get3A_22 = vector.shape_cast %get3A_21 : vector<1x256x1024xf32> to vector<256x1024xf32>
      %get3A_23 = arith.constant 0 : index
      %get3A_24 = arith.constant 0 : index
      %get3A_25 = arith.constant 0 : index
      %get3A_26 = vector.load %arg6[%get3A_23, %get3A_24, %get3A_25] : memref<1x1024x256xf32, #tpu.memory_space<vmem>>, vector<1x1024x256xf32>
      %get3A_27 = vector.shape_cast %get3A_26 : vector<1x1024x256xf32> to vector<1024x256xf32>
      %dot_general3A = arith.constant dense<0.000000e+00> : vector<128x256xf32>
      %dot_general3A_28 = tpu.matmul %convert_element_type3A_12, %get3A_17, %dot_general3A {dimension_numbers = #tpu.dot_dimension_numbers<[1], [1], [0], [0], [0, 0, 1, 0], [], []>, transpose_lhs_hint = false} : vector<128x1024xf32>, vector<256x1024xf32>, vector<128x256xf32> -> vector<128x256xf32>
      %dot_general3A_29 = arith.constant dense<0.000000e+00> : vector<128x256xf32>
      %dot_general3A_30 = tpu.matmul %convert_element_type3A_12, %get3A_22, %dot_general3A_29 {dimension_numbers = #tpu.dot_dimension_numbers<[1], [1], [0], [0], [0, 0, 1, 0], [], []>, transpose_lhs_hint = false} : vector<128x1024xf32>, vector<256x1024xf32>, vector<128x256xf32> -> vector<128x256xf32>
      %mul3A = arith.constant 5.000000e-01 : f32
      %mul3A_31 = vector.broadcast %mul3A : f32 to vector<128x256xf32>
      %mul3A_32 = arith.mulf %mul3A_31, %dot_general3A_30 : vector<128x256xf32>
      %mul3A_33 = arith.constant 0.707106769 : f32
      %mul3A_34 = vector.broadcast %mul3A_33 : f32 to vector<128x256xf32>
      %mul3A_35 = arith.mulf %dot_general3A_30, %mul3A_34 : vector<128x256xf32>
      %erf3A = math.erf %mul3A_35 : vector<128x256xf32>
      %add3A = arith.constant 1.000000e+00 : f32
      %add3A_36 = vector.broadcast %add3A : f32 to vector<128x256xf32>
      %add3A_37 = arith.addf %add3A_36, %erf3A : vector<128x256xf32>
      %mul3A_38 = arith.mulf %mul3A_32, %add3A_37 : vector<128x256xf32>
      %mul3A_39 = arith.mulf %dot_general3A_28, %mul3A_38 : vector<128x256xf32>
      %dot_general3A_40 = arith.constant dense<0.000000e+00> : vector<128x1024xf32>
      %dot_general3A_41 = tpu.matmul %mul3A_39, %get3A_27, %dot_general3A_40 {dimension_numbers = #tpu.dot_dimension_numbers<[1], [1], [0], [0], [0, 0, 1, 0], [], []>, transpose_lhs_hint = false} : vector<128x256xf32>, vector<1024x256xf32>, vector<128x1024xf32> -> vector<128x1024xf32>
      %convert_element_type3A_42 = arith.truncf %dot_general3A_41 : vector<128x1024xf32> to vector<128x1024xbf16>
      %slice3A = vector.extract_strided_slice %convert_element_type3A_42 {offsets = [0, 0], sizes = [128, 512], strides = [1, 1]} : vector<128x1024xbf16> to vector<128x512xbf16>
      %bitcast_convert_type3A_43 = tpu.bitcast %slice3A : vector<128x512xbf16> -> vector<128x512xi16>
      %convert_element_type3A_44 = arith.extui %bitcast_convert_type3A_43 : vector<128x512xi16> to vector<128x512xi32>
      %slice3A_45 = vector.extract_strided_slice %convert_element_type3A_42 {offsets = [0, 512], sizes = [128, 512], strides = [1, 1]} : vector<128x1024xbf16> to vector<128x512xbf16>
      %bitcast_convert_type3A_46 = tpu.bitcast %slice3A_45 : vector<128x512xbf16> -> vector<128x512xi16>
      %convert_element_type3A_47 = arith.extui %bitcast_convert_type3A_46 : vector<128x512xi16> to vector<128x512xi32>
      %shift_left3A = arith.constant 16 : i32
      %shift_left3A_48 = vector.broadcast %shift_left3A : i32 to vector<128x512xi32>
      %shift_left3A_49 = arith.shli %convert_element_type3A_47, %shift_left3A_48 : vector<128x512xi32>
      %or3A = arith.ori %convert_element_type3A_44, %shift_left3A_49 : vector<128x512xi32>
      %swap3A = arith.constant 0 : index
      %swap3A_50 = arith.constant 0 : index
      %swap3A_51 = vector.load %arg7[%swap3A, %swap3A_50] : memref<128x512xi32, #tpu.memory_space<vmem>>, vector<128x512xi32>
      tpu.vector_store %arg7[%swap3A, %swap3A_50], %or3A {strides = array<i32>} : memref<128x512xi32, #tpu.memory_space<vmem>>, vector<128x512xi32>,
    } else {
    }
    return
  }
  func.func @transform_0(%arg0: i32, %arg1: memref<96xi32, #tpu.memory_space<smem>>, %arg2: memref<1xi32, #tpu.memory_space<smem>>) -> (i32, i32) {
    %get3A = arith.constant 0 : index
    %get3A_0 = memref.load %arg2[%get3A] : memref<1xi32, #tpu.memory_space<smem>>
    %sub3A = arith.constant 1 : i32
    %sub3A_1 = arith.subi %get3A_0, %sub3A : i32
    %min3A = arith.minsi %arg0, %sub3A_1 : i32
    %c0_i32 = arith.constant 0 : i32
    %c0_i32_2 = arith.constant 0 : i32
    return %min3A, %c0_i32 : i32, i32
  }
  func.func @transform_1(%arg0: i32, %arg1: memref<96xi32, #tpu.memory_space<smem>>, %arg2: memref<1xi32, #tpu.memory_space<smem>>) -> (i32, i32, i32) {
    %get3A = arith.constant 0 : index
    %get3A_0 = memref.load %arg2[%get3A] : memref<1xi32, #tpu.memory_space<smem>>
    %sub3A = arith.constant 1 : i32
    %sub3A_1 = arith.subi %get3A_0, %sub3A : i32
    %min3A = arith.minsi %arg0, %sub3A_1 : i32
    %get3A_2 = arith.index_cast %min3A : i32 to index
    %get3A_3 = memref.load %arg1[%get3A_2] : memref<96xi32, #tpu.memory_space<smem>>
    %c0_i32 = arith.constant 0 : i32
    %c0_i32_4 = arith.constant 0 : i32
    %c0_i32_5 = arith.constant 0 : i32
    return %get3A_3, %c0_i32, %c0_i32_4 : i32, i32, i32
  }
  func.func @transform_2(%arg0: i32, %arg1: memref<96xi32, #tpu.memory_space<smem>>, %arg2: memref<1xi32, #tpu.memory_space<smem>>) -> (i32, i32, i32) {
    %get3A = arith.constant 0 : index
    %get3A_0 = memref.load %arg2[%get3A] : memref<1xi32, #tpu.memory_space<smem>>
    %sub3A = arith.constant 1 : i32
    %sub3A_1 = arith.subi %get3A_0, %sub3A : i32
    %min3A = arith.minsi %arg0, %sub3A_1 : i32
    %get3A_2 = arith.index_cast %min3A : i32 to index
    %get3A_3 = memref.load %arg1[%get3A_2] : memref<96xi32, #tpu.memory_space<smem>>
    %c0_i32 = arith.constant 0 : i32
    %c0_i32_4 = arith.constant 0 : i32
    %c0_i32_5 = arith.constant 0 : i32
    return %get3A_3, %c0_i32, %c0_i32_4 : i32, i32, i32
  }
  func.func @transform_3(%arg0: i32, %arg1: memref<96xi32, #tpu.memory_space<smem>>, %arg2: memref<1xi32, #tpu.memory_space<smem>>) -> (i32, i32, i32) {
    %get3A = arith.constant 0 : index
    %get3A_0 = memref.load %arg2[%get3A] : memref<1xi32, #tpu.memory_space<smem>>
    %sub3A = arith.constant 1 : i32
    %sub3A_1 = arith.subi %get3A_0, %sub3A : i32
    %min3A = arith.minsi %arg0, %sub3A_1 : i32
    %get3A_2 = arith.index_cast %min3A : i32 to index
    %get3A_3 = memref.load %arg1[%get3A_2] : memref<96xi32, #tpu.memory_space<smem>>
    %c0_i32 = arith.constant 0 : i32
    %c0_i32_4 = arith.constant 0 : i32
    %c0_i32_5 = arith.constant 0 : i32
    return %get3A_3, %c0_i32, %c0_i32_4 : i32, i32, i32
  }
  func.func @transform_4(%arg0: i32, %arg1: memref<96xi32, #tpu.memory_space<smem>>, %arg2: memref<1xi32, #tpu.memory_space<smem>>) -> (i32, i32) {
    %get3A = arith.constant 0 : index
    %get3A_0 = memref.load %arg2[%get3A] : memref<1xi32, #tpu.memory_space<smem>>
    %sub3A = arith.constant 1 : i32
    %sub3A_1 = arith.subi %get3A_0, %sub3A : i32
    %min3A = arith.minsi %arg0, %sub3A_1 : i32
    %c0_i32 = arith.constant 0 : i32
    %c0_i32_2 = arith.constant 0 : i32
    return %min3A, %c0_i32 : i32, i32
  }
}

module attributes {stable_mosaic.version = 14 : i64} {
  func.func @_combine_body(%arg0: i32, %arg1: memref<256x1024xf32, #tpu.memory_space<vmem>>, %arg2: memref<256x1024xf32, #tpu.memory_space<vmem>>, %arg3: memref<256x1024xf32, #tpu.memory_space<vmem>>, %arg4: memref<1024x256xf32, #tpu.memory_space<vmem>>, %arg5: memref<2x256x512xi32, #tpu.memory_space<vmem>>, %arg6: memref<256x2xf32, #tpu.memory_space<vmem>>, %arg7: memref<256x1024xf32, #tpu.memory_space<vmem>>) attributes {dimension_semantics = [#tpu.dimension_semantics<arbitrary>], iteration_bounds = array<i64: 8>, scalar_prefetch = 0 : i64, scratch_operands = 0 : i64, tpu.core_type = #tpu.core_type<tc>, window_params = [{transform_indices = @transform_0, window_bounds = array<i64: 256, 1024>}, {pipeline_mode = #tpu.pipeline_mode<synchronous>, transform_indices = @transform_1, window_bounds = array<i64: 256, 1024>}, {pipeline_mode = #tpu.pipeline_mode<synchronous>, transform_indices = @transform_2, window_bounds = array<i64: 256, 1024>}, {pipeline_mode = #tpu.pipeline_mode<synchronous>, transform_indices = @transform_3, window_bounds = array<i64: 1024, 256>}, {transform_indices = @transform_4, window_bounds = array<i64: 2, 256, 512>}, {transform_indices = @transform_5, window_bounds = array<i64: 256, 2>}, {transform_indices = @transform_6, window_bounds = array<i64: 256, 1024>}]} {
    %get3A = arith.constant 0 : index
    %get3A_0 = arith.constant 0 : index
    %get3A_1 = vector.load %arg1[%get3A, %get3A_0] : memref<256x1024xf32, #tpu.memory_space<vmem>>, vector<256x1024xf32>
    %get3A_2 = arith.constant 0 : index
    %get3A_3 = arith.constant 0 : index
    %get3A_4 = vector.load %arg2[%get3A_2, %get3A_3] : memref<256x1024xf32, #tpu.memory_space<vmem>>, vector<256x1024xf32>
    %dot_general3A = arith.constant dense<0.000000e+00> : vector<256x256xf32>
    %dot_general3A_5 = tpu.matmul %get3A_1, %get3A_4, %dot_general3A {dimension_numbers = #tpu.dot_dimension_numbers<[1], [1], [0], [0], [0, 0, 1, 0], [], []>, transpose_lhs_hint = false} : vector<256x1024xf32>, vector<256x1024xf32>, vector<256x256xf32> -> vector<256x256xf32>
    %get3A_6 = arith.constant 0 : index
    %get3A_7 = arith.constant 0 : index
    %get3A_8 = vector.load %arg3[%get3A_6, %get3A_7] : memref<256x1024xf32, #tpu.memory_space<vmem>>, vector<256x1024xf32>
    %dot_general3A_9 = arith.constant dense<0.000000e+00> : vector<256x256xf32>
    %dot_general3A_10 = tpu.matmul %get3A_1, %get3A_8, %dot_general3A_9 {dimension_numbers = #tpu.dot_dimension_numbers<[1], [1], [0], [0], [0, 0, 1, 0], [], []>, transpose_lhs_hint = false} : vector<256x1024xf32>, vector<256x1024xf32>, vector<256x256xf32> -> vector<256x256xf32>
    %mul3A = arith.constant 5.000000e-01 : f32
    %mul3A_11 = vector.broadcast %mul3A : f32 to vector<256x256xf32>
    %mul3A_12 = arith.mulf %mul3A_11, %dot_general3A_10 : vector<256x256xf32>
    %mul3A_13 = arith.constant 0.707106769 : f32
    %mul3A_14 = vector.broadcast %mul3A_13 : f32 to vector<256x256xf32>
    %mul3A_15 = arith.mulf %dot_general3A_10, %mul3A_14 : vector<256x256xf32>
    %erf3A = math.erf %mul3A_15 : vector<256x256xf32>
    %add3A = arith.constant 1.000000e+00 : f32
    %add3A_16 = vector.broadcast %add3A : f32 to vector<256x256xf32>
    %add3A_17 = arith.addf %add3A_16, %erf3A : vector<256x256xf32>
    %mul3A_18 = arith.mulf %mul3A_12, %add3A_17 : vector<256x256xf32>
    %mul3A_19 = arith.mulf %dot_general3A_5, %mul3A_18 : vector<256x256xf32>
    %get3A_20 = arith.constant 0 : index
    %get3A_21 = arith.constant 0 : index
    %get3A_22 = vector.load %arg4[%get3A_20, %get3A_21] : memref<1024x256xf32, #tpu.memory_space<vmem>>, vector<1024x256xf32>
    %dot_general3A_23 = arith.constant dense<0.000000e+00> : vector<256x1024xf32>
    %dot_general3A_24 = tpu.matmul %mul3A_19, %get3A_22, %dot_general3A_23 {dimension_numbers = #tpu.dot_dimension_numbers<[1], [1], [0], [0], [0, 0, 1, 0], [], []>, transpose_lhs_hint = false} : vector<256x256xf32>, vector<1024x256xf32>, vector<256x1024xf32> -> vector<256x1024xf32>
    %get3A_25 = arith.constant 0 : index
    %get3A_26 = arith.constant 0 : index
    %get3A_27 = vector.load %arg6[%get3A_25, %get3A_26] : memref<256x2xf32, #tpu.memory_space<vmem>>, vector<256x1xf32>
    %get3A_28 = arith.constant 0 : index
    %get3A_29 = arith.constant 1 : index
    %get3A_30 = vector.load %arg6[%get3A_28, %get3A_29] : memref<256x2xf32, #tpu.memory_space<vmem>>, vector<256x1xf32>
    %get3A_31 = arith.constant 0 : index
    %get3A_32 = arith.constant 0 : index
    %get3A_33 = arith.constant 0 : index
    %get3A_34 = vector.load %arg5[%get3A_31, %get3A_32, %get3A_33] : memref<2x256x512xi32, #tpu.memory_space<vmem>>, vector<1x256x512xi32>
    %get3A_35 = vector.shape_cast %get3A_34 : vector<1x256x512xi32> to vector<256x512xi32>
    %and3A = arith.constant 65535 : i32
    %and3A_36 = vector.broadcast %and3A : i32 to vector<256x512xi32>
    %and3A_37 = arith.andi %get3A_35, %and3A_36 : vector<256x512xi32>
    %convert_element_type3A = arith.trunci %and3A_37 : vector<256x512xi32> to vector<256x512xi16>
    %bitcast_convert_type3A = tpu.bitcast %convert_element_type3A : vector<256x512xi16> -> vector<256x512xbf16>
    %shift_right_logical3A = arith.constant 16 : i32
    %shift_right_logical3A_38 = vector.broadcast %shift_right_logical3A : i32 to vector<256x512xi32>
    %shift_right_logical3A_39 = arith.shrui %get3A_35, %shift_right_logical3A_38 : vector<256x512xi32>
    %convert_element_type3A_40 = arith.trunci %shift_right_logical3A_39 : vector<256x512xi32> to vector<256x512xi16>
    %bitcast_convert_type3A_41 = tpu.bitcast %convert_element_type3A_40 : vector<256x512xi16> -> vector<256x512xbf16>
    %concatenate3A = tpu.concatenate %bitcast_convert_type3A, %bitcast_convert_type3A_41 in 1 : vector<256x512xbf16>, vector<256x512xbf16> -> vector<256x1024xbf16>
    %convert_element_type3A_42 = arith.extf %concatenate3A : vector<256x1024xbf16> to vector<256x1024xf32>
    %mul3A_43 = vector.broadcast %get3A_27 : vector<256x1xf32> to vector<256x1024xf32>
    %mul3A_44 = arith.mulf %mul3A_43, %convert_element_type3A_42 : vector<256x1024xf32>
    %add3A_45 = arith.addf %dot_general3A_24, %mul3A_44 : vector<256x1024xf32>
    %get3A_46 = arith.constant 1 : index
    %get3A_47 = arith.constant 0 : index
    %get3A_48 = arith.constant 0 : index
    %get3A_49 = vector.load %arg5[%get3A_46, %get3A_47, %get3A_48] : memref<2x256x512xi32, #tpu.memory_space<vmem>>, vector<1x256x512xi32>
    %get3A_50 = vector.shape_cast %get3A_49 : vector<1x256x512xi32> to vector<256x512xi32>
    %and3A_51 = arith.constant 65535 : i32
    %and3A_52 = vector.broadcast %and3A_51 : i32 to vector<256x512xi32>
    %and3A_53 = arith.andi %get3A_50, %and3A_52 : vector<256x512xi32>
    %convert_element_type3A_54 = arith.trunci %and3A_53 : vector<256x512xi32> to vector<256x512xi16>
    %bitcast_convert_type3A_55 = tpu.bitcast %convert_element_type3A_54 : vector<256x512xi16> -> vector<256x512xbf16>
    %shift_right_logical3A_56 = arith.constant 16 : i32
    %shift_right_logical3A_57 = vector.broadcast %shift_right_logical3A_56 : i32 to vector<256x512xi32>
    %shift_right_logical3A_58 = arith.shrui %get3A_50, %shift_right_logical3A_57 : vector<256x512xi32>
    %convert_element_type3A_59 = arith.trunci %shift_right_logical3A_58 : vector<256x512xi32> to vector<256x512xi16>
    %bitcast_convert_type3A_60 = tpu.bitcast %convert_element_type3A_59 : vector<256x512xi16> -> vector<256x512xbf16>
    %concatenate3A_61 = tpu.concatenate %bitcast_convert_type3A_55, %bitcast_convert_type3A_60 in 1 : vector<256x512xbf16>, vector<256x512xbf16> -> vector<256x1024xbf16>
    %convert_element_type3A_62 = arith.extf %concatenate3A_61 : vector<256x1024xbf16> to vector<256x1024xf32>
    %mul3A_63 = vector.broadcast %get3A_30 : vector<256x1xf32> to vector<256x1024xf32>
    %mul3A_64 = arith.mulf %mul3A_63, %convert_element_type3A_62 : vector<256x1024xf32>
    %add3A_65 = arith.addf %add3A_45, %mul3A_64 : vector<256x1024xf32>
    %swap3A = arith.constant 0 : index
    %swap3A_66 = arith.constant 0 : index
    %swap3A_67 = vector.load %arg7[%swap3A, %swap3A_66] : memref<256x1024xf32, #tpu.memory_space<vmem>>, vector<256x1024xf32>
    tpu.vector_store %arg7[%swap3A, %swap3A_66], %add3A_65 {strides = array<i32>} : memref<256x1024xf32, #tpu.memory_space<vmem>>, vector<256x1024xf32>,
    return
  }
  func.func @transform_0(%arg0: i32) -> (i32, i32) {
    %c0_i32 = arith.constant 0 : i32
    %c0_i32_0 = arith.constant 0 : i32
    return %arg0, %c0_i32 : i32, i32
  }
  func.func @transform_1(%arg0: i32) -> (i32, i32) {
    %c0_i32 = arith.constant 0 : i32
    %c0_i32_0 = arith.constant 0 : i32
    %c0_i32_1 = arith.constant 0 : i32
    return %c0_i32, %c0_i32_0 : i32, i32
  }
  func.func @transform_2(%arg0: i32) -> (i32, i32) {
    %c0_i32 = arith.constant 0 : i32
    %c0_i32_0 = arith.constant 0 : i32
    %c0_i32_1 = arith.constant 0 : i32
    return %c0_i32, %c0_i32_0 : i32, i32
  }
  func.func @transform_3(%arg0: i32) -> (i32, i32) {
    %c0_i32 = arith.constant 0 : i32
    %c0_i32_0 = arith.constant 0 : i32
    %c0_i32_1 = arith.constant 0 : i32
    return %c0_i32, %c0_i32_0 : i32, i32
  }
  func.func @transform_4(%arg0: i32) -> (i32, i32, i32) {
    %c0_i32 = arith.constant 0 : i32
    %c0_i32_0 = arith.constant 0 : i32
    %c0_i32_1 = arith.constant 0 : i32
    return %c0_i32, %arg0, %c0_i32_0 : i32, i32, i32
  }
  func.func @transform_5(%arg0: i32) -> (i32, i32) {
    %c0_i32 = arith.constant 0 : i32
    %c0_i32_0 = arith.constant 0 : i32
    return %arg0, %c0_i32 : i32, i32
  }
  func.func @transform_6(%arg0: i32) -> (i32, i32) {
    %c0_i32 = arith.constant 0 : i32
    %c0_i32_0 = arith.constant 0 : i32
    return %arg0, %c0_i32 : i32, i32
  }
}

module attributes {stable_mosaic.version = 14 : i64} {
  func.func @_gating_meta_body(%arg0: memref<2048x1024xf32, #tpu.memory_space<vmem>>, %arg1: memref<64x1024xf32, #tpu.memory_space<vmem>>, %arg2: memref<2048x2xf32, #tpu.memory_space<vmem>>, %arg3: memref<2048x2xi32, #tpu.memory_space<vmem>>, %arg4: memref<128x1xi32, #tpu.memory_space<vmem>>, %arg5: memref<1x1xi32, #tpu.memory_space<vmem>>, %arg6: memref<2048x512xi32, #tpu.memory_space<vmem>>) attributes {dimension_semantics = [], scalar_prefetch = 0 : i64, scratch_operands = 0 : i64, tpu.core_type = #tpu.core_type<tc>} {
    %get3A = arith.constant 0 : index
    %get3A_0 = arith.constant 0 : index
    %get3A_1 = vector.load %arg0[%get3A, %get3A_0] : memref<2048x1024xf32, #tpu.memory_space<vmem>>, vector<2048x1024xf32>
    %get3A_2 = arith.constant 0 : index
    %get3A_3 = arith.constant 0 : index
    %get3A_4 = vector.load %arg1[%get3A_2, %get3A_3] : memref<64x1024xf32, #tpu.memory_space<vmem>>, vector<64x1024xf32>
    %convert_element_type3A = arith.truncf %get3A_1 : vector<2048x1024xf32> to vector<2048x1024xbf16>
    %slice3A = vector.extract_strided_slice %convert_element_type3A {offsets = [0, 0], sizes = [2048, 512], strides = [1, 1]} : vector<2048x1024xbf16> to vector<2048x512xbf16>
    %bitcast_convert_type3A = tpu.bitcast %slice3A : vector<2048x512xbf16> -> vector<2048x512xi16>
    %convert_element_type3A_5 = arith.extui %bitcast_convert_type3A : vector<2048x512xi16> to vector<2048x512xi32>
    %slice3A_6 = vector.extract_strided_slice %convert_element_type3A {offsets = [0, 512], sizes = [2048, 512], strides = [1, 1]} : vector<2048x1024xbf16> to vector<2048x512xbf16>
    %bitcast_convert_type3A_7 = tpu.bitcast %slice3A_6 : vector<2048x512xbf16> -> vector<2048x512xi16>
    %convert_element_type3A_8 = arith.extui %bitcast_convert_type3A_7 : vector<2048x512xi16> to vector<2048x512xi32>
    %shift_left3A = arith.constant 16 : i32
    %shift_left3A_9 = vector.broadcast %shift_left3A : i32 to vector<2048x512xi32>
    %shift_left3A_10 = arith.shli %convert_element_type3A_8, %shift_left3A_9 : vector<2048x512xi32>
    %or3A = arith.ori %convert_element_type3A_5, %shift_left3A_10 : vector<2048x512xi32>
    %swap3A = arith.constant 0 : index
    %swap3A_11 = arith.constant 0 : index
    %swap3A_12 = vector.load %arg6[%swap3A, %swap3A_11] : memref<2048x512xi32, #tpu.memory_space<vmem>>, vector<2048x512xi32>
    tpu.vector_store %arg6[%swap3A, %swap3A_11], %or3A {strides = array<i32>} : memref<2048x512xi32, #tpu.memory_space<vmem>>, vector<2048x512xi32>,
    %dot_general3A = arith.constant dense<0.000000e+00> : vector<2048x64xf32>
    %dot_general3A_13 = tpu.matmul %get3A_1, %get3A_4, %dot_general3A {dimension_numbers = #tpu.dot_dimension_numbers<[1], [1], [0], [0], [0, 0, 1, 0], [], []>, transpose_lhs_hint = false} : vector<2048x1024xf32>, vector<64x1024xf32>, vector<2048x64xf32> -> vector<2048x64xf32>
    %iota3A = tpu.iota {dimensions = array<i32: 1>} : vector<2048x64xi32>
    %reduce_max3A = arith.constant dense<0xFF800000> : vector<2048xf32>
    %reduce_max3A_14 = vector.multi_reduction <maximumf>, %dot_general3A_13, %reduce_max3A [1] : vector<2048x64xf32> to vector<2048xf32>
    %broadcast_in_dim3A = vector.shape_cast %reduce_max3A_14 : vector<2048xf32> to vector<2048x1xf32>
    %ge3A = vector.broadcast %broadcast_in_dim3A : vector<2048x1xf32> to vector<2048x64xf32>
    %ge3A_15 = arith.cmpf oge, %dot_general3A_13, %ge3A : vector<2048x64xf32>
    %jit3A = arith.constant 64 : i32
    %broadcast_in_dim3A_16 = vector.broadcast %jit3A : i32 to vector<2048x64xi32>
    %select_n3A = arith.select %ge3A_15, %iota3A, %broadcast_in_dim3A_16 : vector<2048x64xi1>, vector<2048x64xi32>
    %reduce_min3A = arith.constant dense<2147483647> : vector<2048xi32>
    %reduce_min3A_17 = vector.multi_reduction <minsi>, %select_n3A, %reduce_min3A [1] : vector<2048x64xi32> to vector<2048xi32>
    %broadcast_in_dim3A_18 = vector.shape_cast %reduce_min3A_17 : vector<2048xi32> to vector<2048x1xi32>
    %eq3A = vector.broadcast %broadcast_in_dim3A_18 : vector<2048x1xi32> to vector<2048x64xi32>
    %eq3A_19 = arith.cmpi eq, %iota3A, %eq3A : vector<2048x64xi32>
    %jit3A_20 = arith.constant 0xFF800000 : f32
    %broadcast_in_dim3A_21 = vector.broadcast %jit3A_20 : f32 to vector<2048x64xf32>
    %select_n3A_22 = arith.select %eq3A_19, %broadcast_in_dim3A_21, %dot_general3A_13 : vector<2048x64xi1>, vector<2048x64xf32>
    %reduce_max3A_23 = arith.constant dense<0xFF800000> : vector<2048xf32>
    %reduce_max3A_24 = vector.multi_reduction <maximumf>, %select_n3A_22, %reduce_max3A_23 [1] : vector<2048x64xf32> to vector<2048xf32>
    %broadcast_in_dim3A_25 = vector.shape_cast %reduce_max3A_24 : vector<2048xf32> to vector<2048x1xf32>
    %ge3A_26 = vector.broadcast %broadcast_in_dim3A_25 : vector<2048x1xf32> to vector<2048x64xf32>
    %ge3A_27 = arith.cmpf oge, %select_n3A_22, %ge3A_26 : vector<2048x64xf32>
    %jit3A_28 = arith.constant 64 : i32
    %broadcast_in_dim3A_29 = vector.broadcast %jit3A_28 : i32 to vector<2048x64xi32>
    %select_n3A_30 = arith.select %ge3A_27, %iota3A, %broadcast_in_dim3A_29 : vector<2048x64xi1>, vector<2048x64xi32>
    %reduce_min3A_31 = arith.constant dense<2147483647> : vector<2048xi32>
    %reduce_min3A_32 = vector.multi_reduction <minsi>, %select_n3A_30, %reduce_min3A_31 [1] : vector<2048x64xi32> to vector<2048xi32>
    %broadcast_in_dim3A_33 = vector.shape_cast %reduce_min3A_32 : vector<2048xi32> to vector<2048x1xi32>
    %eq3A_34 = vector.broadcast %broadcast_in_dim3A_33 : vector<2048x1xi32> to vector<2048x64xi32>
    %eq3A_35 = arith.cmpi eq, %iota3A, %eq3A_34 : vector<2048x64xi32>
    %sub3A = arith.subf %broadcast_in_dim3A_25, %broadcast_in_dim3A : vector<2048x1xf32>
    %exp3A = math.exp %sub3A : vector<2048x1xf32>
    %add3A = arith.constant 1.000000e+00 : f32
    %add3A_36 = vector.broadcast %add3A : f32 to vector<2048x1xf32>
    %add3A_37 = arith.addf %add3A_36, %exp3A : vector<2048x1xf32>
    %div3A = arith.constant 1.000000e+00 : f32
    %div3A_38 = vector.broadcast %div3A : f32 to vector<2048x1xf32>
    %div3A_39 = arith.divf %div3A_38, %add3A_37 : vector<2048x1xf32>
    %swap3A_40 = arith.constant 0 : index
    %swap3A_41 = arith.constant 0 : index
    %swap3A_42 = vector.load %arg2[%swap3A_40, %swap3A_41] : memref<2048x2xf32, #tpu.memory_space<vmem>>, vector<2048x1xf32>
    tpu.vector_store %arg2[%swap3A_40, %swap3A_41], %div3A_39 {strides = array<i32>} : memref<2048x2xf32, #tpu.memory_space<vmem>>, vector<2048x1xf32>,
    %sub3A_43 = arith.constant 1.000000e+00 : f32
    %sub3A_44 = vector.broadcast %sub3A_43 : f32 to vector<2048x1xf32>
    %sub3A_45 = arith.subf %sub3A_44, %div3A_39 : vector<2048x1xf32>
    %swap3A_46 = arith.constant 0 : index
    %swap3A_47 = arith.constant 1 : index
    %swap3A_48 = vector.load %arg2[%swap3A_46, %swap3A_47] : memref<2048x2xf32, #tpu.memory_space<vmem>>, vector<2048x1xf32>
    tpu.vector_store %arg2[%swap3A_46, %swap3A_47], %sub3A_45 {strides = array<i32>} : memref<2048x2xf32, #tpu.memory_space<vmem>>, vector<2048x1xf32>,
    %convert_element_type3A_49 = arith.extui %eq3A_19 : vector<2048x64xi1> to vector<2048x64xi32>
    %convert_element_type3A_50 = arith.sitofp %convert_element_type3A_49 : vector<2048x64xi32> to vector<2048x64xf32>
    %convert_element_type3A_51 = arith.extui %eq3A_35 : vector<2048x64xi1> to vector<2048x64xi32>
    %convert_element_type3A_52 = arith.sitofp %convert_element_type3A_51 : vector<2048x64xi32> to vector<2048x64xf32>
    %iota3A_53 = tpu.iota {dimensions = array<i32: 0>} : vector<256x256xi32>
    %iota3A_54 = tpu.iota {dimensions = array<i32: 1>} : vector<256x256xi32>
    %lt3A = arith.cmpi slt, %iota3A_54, %iota3A_53 : vector<256x256xi32>
    %convert_element_type3A_55 = arith.extui %lt3A : vector<256x256xi1> to vector<256x256xi32>
    %convert_element_type3A_56 = arith.sitofp %convert_element_type3A_55 : vector<256x256xi32> to vector<256x256xf32>
    %broadcast_in_dim3A_57 = arith.constant 0.000000e+00 : f32
    %broadcast_in_dim3A_58 = vector.broadcast %broadcast_in_dim3A_57 : f32 to vector<1x64xf32>
    %broadcast_in_dim3A_59 = arith.constant 0.000000e+00 : f32
    %broadcast_in_dim3A_60 = vector.broadcast %broadcast_in_dim3A_59 : f32 to vector<1x64xf32>
    %slice3A_61 = vector.extract_strided_slice %convert_element_type3A_50 {offsets = [0, 0], sizes = [256, 64], strides = [1, 1]} : vector<2048x64xf32> to vector<256x64xf32>
    %slice3A_62 = vector.extract_strided_slice %convert_element_type3A_52 {offsets = [0, 0], sizes = [256, 64], strides = [1, 1]} : vector<2048x64xf32> to vector<256x64xf32>
    %dot_general3A_63 = arith.constant dense<0.000000e+00> : vector<256x64xf32>
    %dot_general3A_64 = tpu.matmul %convert_element_type3A_56, %slice3A_61, %dot_general3A_63 {dimension_numbers = #tpu.dot_dimension_numbers<[1], [0], [0], [1], [0, 0, 1, 1], [], []>, transpose_lhs_hint = false} : vector<256x256xf32>, vector<256x64xf32>, vector<256x64xf32> -> vector<256x64xf32>
    %add3A_65 = vector.broadcast %broadcast_in_dim3A_58 : vector<1x64xf32> to vector<256x64xf32>
    %add3A_66 = arith.addf %dot_general3A_64, %add3A_65 : vector<256x64xf32>
    %dot_general3A_67 = arith.constant dense<0.000000e+00> : vector<256x64xf32>
    %dot_general3A_68 = tpu.matmul %convert_element_type3A_56, %slice3A_62, %dot_general3A_67 {dimension_numbers = #tpu.dot_dimension_numbers<[1], [0], [0], [1], [0, 0, 1, 1], [], []>, transpose_lhs_hint = false} : vector<256x256xf32>, vector<256x64xf32>, vector<256x64xf32> -> vector<256x64xf32>
    %add3A_69 = vector.broadcast %broadcast_in_dim3A_60 : vector<1x64xf32> to vector<256x64xf32>
    %add3A_70 = arith.addf %dot_general3A_68, %add3A_69 : vector<256x64xf32>
    %reduce_sum3A = arith.constant dense<0.000000e+00> : vector<64xf32>
    %reduce_sum3A_71 = vector.multi_reduction <add>, %slice3A_61, %reduce_sum3A [0] : vector<256x64xf32> to vector<64xf32>
    %broadcast_in_dim3A_72 = vector.shape_cast %reduce_sum3A_71 : vector<64xf32> to vector<1x64xf32>
    %add3A_73 = arith.addf %broadcast_in_dim3A_58, %broadcast_in_dim3A_72 : vector<1x64xf32>
    %reduce_sum3A_74 = arith.constant dense<0.000000e+00> : vector<64xf32>
    %reduce_sum3A_75 = vector.multi_reduction <add>, %slice3A_62, %reduce_sum3A_74 [0] : vector<256x64xf32> to vector<64xf32>
    %broadcast_in_dim3A_76 = vector.shape_cast %reduce_sum3A_75 : vector<64xf32> to vector<1x64xf32>
    %add3A_77 = arith.addf %broadcast_in_dim3A_60, %broadcast_in_dim3A_76 : vector<1x64xf32>
    %slice3A_78 = vector.extract_strided_slice %convert_element_type3A_50 {offsets = [256, 0], sizes = [256, 64], strides = [1, 1]} : vector<2048x64xf32> to vector<256x64xf32>
    %slice3A_79 = vector.extract_strided_slice %convert_element_type3A_52 {offsets = [256, 0], sizes = [256, 64], strides = [1, 1]} : vector<2048x64xf32> to vector<256x64xf32>
    %dot_general3A_80 = arith.constant dense<0.000000e+00> : vector<256x64xf32>
    %dot_general3A_81 = tpu.matmul %convert_element_type3A_56, %slice3A_78, %dot_general3A_80 {dimension_numbers = #tpu.dot_dimension_numbers<[1], [0], [0], [1], [0, 0, 1, 1], [], []>, transpose_lhs_hint = false} : vector<256x256xf32>, vector<256x64xf32>, vector<256x64xf32> -> vector<256x64xf32>
    %add3A_82 = vector.broadcast %add3A_73 : vector<1x64xf32> to vector<256x64xf32>
    %add3A_83 = arith.addf %dot_general3A_81, %add3A_82 : vector<256x64xf32>
    %dot_general3A_84 = arith.constant dense<0.000000e+00> : vector<256x64xf32>
    %dot_general3A_85 = tpu.matmul %convert_element_type3A_56, %slice3A_79, %dot_general3A_84 {dimension_numbers = #tpu.dot_dimension_numbers<[1], [0], [0], [1], [0, 0, 1, 1], [], []>, transpose_lhs_hint = false} : vector<256x256xf32>, vector<256x64xf32>, vector<256x64xf32> -> vector<256x64xf32>
    %add3A_86 = vector.broadcast %add3A_77 : vector<1x64xf32> to vector<256x64xf32>
    %add3A_87 = arith.addf %dot_general3A_85, %add3A_86 : vector<256x64xf32>
    %reduce_sum3A_88 = arith.constant dense<0.000000e+00> : vector<64xf32>
    %reduce_sum3A_89 = vector.multi_reduction <add>, %slice3A_78, %reduce_sum3A_88 [0] : vector<256x64xf32> to vector<64xf32>
    %broadcast_in_dim3A_90 = vector.shape_cast %reduce_sum3A_89 : vector<64xf32> to vector<1x64xf32>
    %add3A_91 = arith.addf %add3A_73, %broadcast_in_dim3A_90 : vector<1x64xf32>
    %reduce_sum3A_92 = arith.constant dense<0.000000e+00> : vector<64xf32>
    %reduce_sum3A_93 = vector.multi_reduction <add>, %slice3A_79, %reduce_sum3A_92 [0] : vector<256x64xf32> to vector<64xf32>
    %broadcast_in_dim3A_94 = vector.shape_cast %reduce_sum3A_93 : vector<64xf32> to vector<1x64xf32>
    %add3A_95 = arith.addf %add3A_77, %broadcast_in_dim3A_94 : vector<1x64xf32>
    %slice3A_96 = vector.extract_strided_slice %convert_element_type3A_50 {offsets = [512, 0], sizes = [256, 64], strides = [1, 1]} : vector<2048x64xf32> to vector<256x64xf32>
    %slice3A_97 = vector.extract_strided_slice %convert_element_type3A_52 {offsets = [512, 0], sizes = [256, 64], strides = [1, 1]} : vector<2048x64xf32> to vector<256x64xf32>
    %dot_general3A_98 = arith.constant dense<0.000000e+00> : vector<256x64xf32>
    %dot_general3A_99 = tpu.matmul %convert_element_type3A_56, %slice3A_96, %dot_general3A_98 {dimension_numbers = #tpu.dot_dimension_numbers<[1], [0], [0], [1], [0, 0, 1, 1], [], []>, transpose_lhs_hint = false} : vector<256x256xf32>, vector<256x64xf32>, vector<256x64xf32> -> vector<256x64xf32>
    %add3A_100 = vector.broadcast %add3A_91 : vector<1x64xf32> to vector<256x64xf32>
    %add3A_101 = arith.addf %dot_general3A_99, %add3A_100 : vector<256x64xf32>
    %dot_general3A_102 = arith.constant dense<0.000000e+00> : vector<256x64xf32>
    %dot_general3A_103 = tpu.matmul %convert_element_type3A_56, %slice3A_97, %dot_general3A_102 {dimension_numbers = #tpu.dot_dimension_numbers<[1], [0], [0], [1], [0, 0, 1, 1], [], []>, transpose_lhs_hint = false} : vector<256x256xf32>, vector<256x64xf32>, vector<256x64xf32> -> vector<256x64xf32>
    %add3A_104 = vector.broadcast %add3A_95 : vector<1x64xf32> to vector<256x64xf32>
    %add3A_105 = arith.addf %dot_general3A_103, %add3A_104 : vector<256x64xf32>
    %reduce_sum3A_106 = arith.constant dense<0.000000e+00> : vector<64xf32>
    %reduce_sum3A_107 = vector.multi_reduction <add>, %slice3A_96, %reduce_sum3A_106 [0] : vector<256x64xf32> to vector<64xf32>
    %broadcast_in_dim3A_108 = vector.shape_cast %reduce_sum3A_107 : vector<64xf32> to vector<1x64xf32>
    %add3A_109 = arith.addf %add3A_91, %broadcast_in_dim3A_108 : vector<1x64xf32>
    %reduce_sum3A_110 = arith.constant dense<0.000000e+00> : vector<64xf32>
    %reduce_sum3A_111 = vector.multi_reduction <add>, %slice3A_97, %reduce_sum3A_110 [0] : vector<256x64xf32> to vector<64xf32>
    %broadcast_in_dim3A_112 = vector.shape_cast %reduce_sum3A_111 : vector<64xf32> to vector<1x64xf32>
    %add3A_113 = arith.addf %add3A_95, %broadcast_in_dim3A_112 : vector<1x64xf32>
    %slice3A_114 = vector.extract_strided_slice %convert_element_type3A_50 {offsets = [768, 0], sizes = [256, 64], strides = [1, 1]} : vector<2048x64xf32> to vector<256x64xf32>
    %slice3A_115 = vector.extract_strided_slice %convert_element_type3A_52 {offsets = [768, 0], sizes = [256, 64], strides = [1, 1]} : vector<2048x64xf32> to vector<256x64xf32>
    %dot_general3A_116 = arith.constant dense<0.000000e+00> : vector<256x64xf32>
    %dot_general3A_117 = tpu.matmul %convert_element_type3A_56, %slice3A_114, %dot_general3A_116 {dimension_numbers = #tpu.dot_dimension_numbers<[1], [0], [0], [1], [0, 0, 1, 1], [], []>, transpose_lhs_hint = false} : vector<256x256xf32>, vector<256x64xf32>, vector<256x64xf32> -> vector<256x64xf32>
    %add3A_118 = vector.broadcast %add3A_109 : vector<1x64xf32> to vector<256x64xf32>
    %add3A_119 = arith.addf %dot_general3A_117, %add3A_118 : vector<256x64xf32>
    %dot_general3A_120 = arith.constant dense<0.000000e+00> : vector<256x64xf32>
    %dot_general3A_121 = tpu.matmul %convert_element_type3A_56, %slice3A_115, %dot_general3A_120 {dimension_numbers = #tpu.dot_dimension_numbers<[1], [0], [0], [1], [0, 0, 1, 1], [], []>, transpose_lhs_hint = false} : vector<256x256xf32>, vector<256x64xf32>, vector<256x64xf32> -> vector<256x64xf32>
    %add3A_122 = vector.broadcast %add3A_113 : vector<1x64xf32> to vector<256x64xf32>
    %add3A_123 = arith.addf %dot_general3A_121, %add3A_122 : vector<256x64xf32>
    %reduce_sum3A_124 = arith.constant dense<0.000000e+00> : vector<64xf32>
    %reduce_sum3A_125 = vector.multi_reduction <add>, %slice3A_114, %reduce_sum3A_124 [0] : vector<256x64xf32> to vector<64xf32>
    %broadcast_in_dim3A_126 = vector.shape_cast %reduce_sum3A_125 : vector<64xf32> to vector<1x64xf32>
    %add3A_127 = arith.addf %add3A_109, %broadcast_in_dim3A_126 : vector<1x64xf32>
    %reduce_sum3A_128 = arith.constant dense<0.000000e+00> : vector<64xf32>
    %reduce_sum3A_129 = vector.multi_reduction <add>, %slice3A_115, %reduce_sum3A_128 [0] : vector<256x64xf32> to vector<64xf32>
    %broadcast_in_dim3A_130 = vector.shape_cast %reduce_sum3A_129 : vector<64xf32> to vector<1x64xf32>
    %add3A_131 = arith.addf %add3A_113, %broadcast_in_dim3A_130 : vector<1x64xf32>
    %slice3A_132 = vector.extract_strided_slice %convert_element_type3A_50 {offsets = [1024, 0], sizes = [256, 64], strides = [1, 1]} : vector<2048x64xf32> to vector<256x64xf32>
    %slice3A_133 = vector.extract_strided_slice %convert_element_type3A_52 {offsets = [1024, 0], sizes = [256, 64], strides = [1, 1]} : vector<2048x64xf32> to vector<256x64xf32>
    %dot_general3A_134 = arith.constant dense<0.000000e+00> : vector<256x64xf32>
    %dot_general3A_135 = tpu.matmul %convert_element_type3A_56, %slice3A_132, %dot_general3A_134 {dimension_numbers = #tpu.dot_dimension_numbers<[1], [0], [0], [1], [0, 0, 1, 1], [], []>, transpose_lhs_hint = false} : vector<256x256xf32>, vector<256x64xf32>, vector<256x64xf32> -> vector<256x64xf32>
    %add3A_136 = vector.broadcast %add3A_127 : vector<1x64xf32> to vector<256x64xf32>
    %add3A_137 = arith.addf %dot_general3A_135, %add3A_136 : vector<256x64xf32>
    %dot_general3A_138 = arith.constant dense<0.000000e+00> : vector<256x64xf32>
    %dot_general3A_139 = tpu.matmul %convert_element_type3A_56, %slice3A_133, %dot_general3A_138 {dimension_numbers = #tpu.dot_dimension_numbers<[1], [0], [0], [1], [0, 0, 1, 1], [], []>, transpose_lhs_hint = false} : vector<256x256xf32>, vector<256x64xf32>, vector<256x64xf32> -> vector<256x64xf32>
    %add3A_140 = vector.broadcast %add3A_131 : vector<1x64xf32> to vector<256x64xf32>
    %add3A_141 = arith.addf %dot_general3A_139, %add3A_140 : vector<256x64xf32>
    %reduce_sum3A_142 = arith.constant dense<0.000000e+00> : vector<64xf32>
    %reduce_sum3A_143 = vector.multi_reduction <add>, %slice3A_132, %reduce_sum3A_142 [0] : vector<256x64xf32> to vector<64xf32>
    %broadcast_in_dim3A_144 = vector.shape_cast %reduce_sum3A_143 : vector<64xf32> to vector<1x64xf32>
    %add3A_145 = arith.addf %add3A_127, %broadcast_in_dim3A_144 : vector<1x64xf32>
    %reduce_sum3A_146 = arith.constant dense<0.000000e+00> : vector<64xf32>
    %reduce_sum3A_147 = vector.multi_reduction <add>, %slice3A_133, %reduce_sum3A_146 [0] : vector<256x64xf32> to vector<64xf32>
    %broadcast_in_dim3A_148 = vector.shape_cast %reduce_sum3A_147 : vector<64xf32> to vector<1x64xf32>
    %add3A_149 = arith.addf %add3A_131, %broadcast_in_dim3A_148 : vector<1x64xf32>
    %slice3A_150 = vector.extract_strided_slice %convert_element_type3A_50 {offsets = [1280, 0], sizes = [256, 64], strides = [1, 1]} : vector<2048x64xf32> to vector<256x64xf32>
    %slice3A_151 = vector.extract_strided_slice %convert_element_type3A_52 {offsets = [1280, 0], sizes = [256, 64], strides = [1, 1]} : vector<2048x64xf32> to vector<256x64xf32>
    %dot_general3A_152 = arith.constant dense<0.000000e+00> : vector<256x64xf32>
    %dot_general3A_153 = tpu.matmul %convert_element_type3A_56, %slice3A_150, %dot_general3A_152 {dimension_numbers = #tpu.dot_dimension_numbers<[1], [0], [0], [1], [0, 0, 1, 1], [], []>, transpose_lhs_hint = false} : vector<256x256xf32>, vector<256x64xf32>, vector<256x64xf32> -> vector<256x64xf32>
    %add3A_154 = vector.broadcast %add3A_145 : vector<1x64xf32> to vector<256x64xf32>
    %add3A_155 = arith.addf %dot_general3A_153, %add3A_154 : vector<256x64xf32>
    %dot_general3A_156 = arith.constant dense<0.000000e+00> : vector<256x64xf32>
    %dot_general3A_157 = tpu.matmul %convert_element_type3A_56, %slice3A_151, %dot_general3A_156 {dimension_numbers = #tpu.dot_dimension_numbers<[1], [0], [0], [1], [0, 0, 1, 1], [], []>, transpose_lhs_hint = false} : vector<256x256xf32>, vector<256x64xf32>, vector<256x64xf32> -> vector<256x64xf32>
    %add3A_158 = vector.broadcast %add3A_149 : vector<1x64xf32> to vector<256x64xf32>
    %add3A_159 = arith.addf %dot_general3A_157, %add3A_158 : vector<256x64xf32>
    %reduce_sum3A_160 = arith.constant dense<0.000000e+00> : vector<64xf32>
    %reduce_sum3A_161 = vector.multi_reduction <add>, %slice3A_150, %reduce_sum3A_160 [0] : vector<256x64xf32> to vector<64xf32>
    %broadcast_in_dim3A_162 = vector.shape_cast %reduce_sum3A_161 : vector<64xf32> to vector<1x64xf32>
    %add3A_163 = arith.addf %add3A_145, %broadcast_in_dim3A_162 : vector<1x64xf32>
    %reduce_sum3A_164 = arith.constant dense<0.000000e+00> : vector<64xf32>
    %reduce_sum3A_165 = vector.multi_reduction <add>, %slice3A_151, %reduce_sum3A_164 [0] : vector<256x64xf32> to vector<64xf32>
    %broadcast_in_dim3A_166 = vector.shape_cast %reduce_sum3A_165 : vector<64xf32> to vector<1x64xf32>
    %add3A_167 = arith.addf %add3A_149, %broadcast_in_dim3A_166 : vector<1x64xf32>
    %slice3A_168 = vector.extract_strided_slice %convert_element_type3A_50 {offsets = [1536, 0], sizes = [256, 64], strides = [1, 1]} : vector<2048x64xf32> to vector<256x64xf32>
    %slice3A_169 = vector.extract_strided_slice %convert_element_type3A_52 {offsets = [1536, 0], sizes = [256, 64], strides = [1, 1]} : vector<2048x64xf32> to vector<256x64xf32>
    %dot_general3A_170 = arith.constant dense<0.000000e+00> : vector<256x64xf32>
    %dot_general3A_171 = tpu.matmul %convert_element_type3A_56, %slice3A_168, %dot_general3A_170 {dimension_numbers = #tpu.dot_dimension_numbers<[1], [0], [0], [1], [0, 0, 1, 1], [], []>, transpose_lhs_hint = false} : vector<256x256xf32>, vector<256x64xf32>, vector<256x64xf32> -> vector<256x64xf32>
    %add3A_172 = vector.broadcast %add3A_163 : vector<1x64xf32> to vector<256x64xf32>
    %add3A_173 = arith.addf %dot_general3A_171, %add3A_172 : vector<256x64xf32>
    %dot_general3A_174 = arith.constant dense<0.000000e+00> : vector<256x64xf32>
    %dot_general3A_175 = tpu.matmul %convert_element_type3A_56, %slice3A_169, %dot_general3A_174 {dimension_numbers = #tpu.dot_dimension_numbers<[1], [0], [0], [1], [0, 0, 1, 1], [], []>, transpose_lhs_hint = false} : vector<256x256xf32>, vector<256x64xf32>, vector<256x64xf32> -> vector<256x64xf32>
    %add3A_176 = vector.broadcast %add3A_167 : vector<1x64xf32> to vector<256x64xf32>
    %add3A_177 = arith.addf %dot_general3A_175, %add3A_176 : vector<256x64xf32>
    %reduce_sum3A_178 = arith.constant dense<0.000000e+00> : vector<64xf32>
    %reduce_sum3A_179 = vector.multi_reduction <add>, %slice3A_168, %reduce_sum3A_178 [0] : vector<256x64xf32> to vector<64xf32>
    %broadcast_in_dim3A_180 = vector.shape_cast %reduce_sum3A_179 : vector<64xf32> to vector<1x64xf32>
    %add3A_181 = arith.addf %add3A_163, %broadcast_in_dim3A_180 : vector<1x64xf32>
    %reduce_sum3A_182 = arith.constant dense<0.000000e+00> : vector<64xf32>
    %reduce_sum3A_183 = vector.multi_reduction <add>, %slice3A_169, %reduce_sum3A_182 [0] : vector<256x64xf32> to vector<64xf32>
    %broadcast_in_dim3A_184 = vector.shape_cast %reduce_sum3A_183 : vector<64xf32> to vector<1x64xf32>
    %add3A_185 = arith.addf %add3A_167, %broadcast_in_dim3A_184 : vector<1x64xf32>
    %slice3A_186 = vector.extract_strided_slice %convert_element_type3A_50 {offsets = [1792, 0], sizes = [256, 64], strides = [1, 1]} : vector<2048x64xf32> to vector<256x64xf32>
    %slice3A_187 = vector.extract_strided_slice %convert_element_type3A_52 {offsets = [1792, 0], sizes = [256, 64], strides = [1, 1]} : vector<2048x64xf32> to vector<256x64xf32>
    %dot_general3A_188 = arith.constant dense<0.000000e+00> : vector<256x64xf32>
    %dot_general3A_189 = tpu.matmul %convert_element_type3A_56, %slice3A_186, %dot_general3A_188 {dimension_numbers = #tpu.dot_dimension_numbers<[1], [0], [0], [1], [0, 0, 1, 1], [], []>, transpose_lhs_hint = false} : vector<256x256xf32>, vector<256x64xf32>, vector<256x64xf32> -> vector<256x64xf32>
    %add3A_190 = vector.broadcast %add3A_181 : vector<1x64xf32> to vector<256x64xf32>
    %add3A_191 = arith.addf %dot_general3A_189, %add3A_190 : vector<256x64xf32>
    %dot_general3A_192 = arith.constant dense<0.000000e+00> : vector<256x64xf32>
    %dot_general3A_193 = tpu.matmul %convert_element_type3A_56, %slice3A_187, %dot_general3A_192 {dimension_numbers = #tpu.dot_dimension_numbers<[1], [0], [0], [1], [0, 0, 1, 1], [], []>, transpose_lhs_hint = false} : vector<256x256xf32>, vector<256x64xf32>, vector<256x64xf32> -> vector<256x64xf32>
    %add3A_194 = vector.broadcast %add3A_185 : vector<1x64xf32> to vector<256x64xf32>
    %add3A_195 = arith.addf %dot_general3A_193, %add3A_194 : vector<256x64xf32>
    %reduce_sum3A_196 = arith.constant dense<0.000000e+00> : vector<64xf32>
    %reduce_sum3A_197 = vector.multi_reduction <add>, %slice3A_186, %reduce_sum3A_196 [0] : vector<256x64xf32> to vector<64xf32>
    %broadcast_in_dim3A_198 = vector.shape_cast %reduce_sum3A_197 : vector<64xf32> to vector<1x64xf32>
    %add3A_199 = arith.addf %add3A_181, %broadcast_in_dim3A_198 : vector<1x64xf32>
    %reduce_sum3A_200 = arith.constant dense<0.000000e+00> : vector<64xf32>
    %reduce_sum3A_201 = vector.multi_reduction <add>, %slice3A_187, %reduce_sum3A_200 [0] : vector<256x64xf32> to vector<64xf32>
    %broadcast_in_dim3A_202 = vector.shape_cast %reduce_sum3A_201 : vector<64xf32> to vector<1x64xf32>
    %add3A_203 = arith.addf %add3A_185, %broadcast_in_dim3A_202 : vector<1x64xf32>
    %concatenate3A = tpu.concatenate %add3A_66, %add3A_83, %add3A_101, %add3A_119, %add3A_137, %add3A_155, %add3A_173, %add3A_191 in 0 : vector<256x64xf32>, vector<256x64xf32>, vector<256x64xf32>, vector<256x64xf32>, vector<256x64xf32>, vector<256x64xf32>, vector<256x64xf32>, vector<256x64xf32> -> vector<2048x64xf32>
    %concatenate3A_204 = tpu.concatenate %add3A_70, %add3A_87, %add3A_105, %add3A_123, %add3A_141, %add3A_159, %add3A_177, %add3A_195 in 0 : vector<256x64xf32>, vector<256x64xf32>, vector<256x64xf32>, vector<256x64xf32>, vector<256x64xf32>, vector<256x64xf32>, vector<256x64xf32>, vector<256x64xf32> -> vector<2048x64xf32>
    %add3A_205 = arith.addf %concatenate3A, %concatenate3A_204 : vector<2048x64xf32>
    %add3A_206 = arith.addf %concatenate3A, %concatenate3A_204 : vector<2048x64xf32>
    %add3A_207 = arith.addf %add3A_206, %convert_element_type3A_50 : vector<2048x64xf32>
    %add3A_208 = arith.addf %add3A_199, %add3A_203 : vector<1x64xf32>
    %add3A_209 = arith.constant 1.270000e+02 : f32
    %add3A_210 = vector.broadcast %add3A_209 : f32 to vector<1x64xf32>
    %add3A_211 = arith.addf %add3A_208, %add3A_210 : vector<1x64xf32>
    %mul3A = arith.constant 7.812500e-03 : f32
    %mul3A_212 = vector.broadcast %mul3A : f32 to vector<1x64xf32>
    %mul3A_213 = arith.mulf %add3A_211, %mul3A_212 : vector<1x64xf32>
    %floor3A = math.floor %mul3A_213 : vector<1x64xf32>
    %iota3A_214 = tpu.iota {dimensions = array<i32: 0>} : vector<64x64xi32>
    %iota3A_215 = tpu.iota {dimensions = array<i32: 1>} : vector<64x64xi32>
    %lt3A_216 = arith.cmpi slt, %iota3A_214, %iota3A_215 : vector<64x64xi32>
    %convert_element_type3A_217 = arith.extui %lt3A_216 : vector<64x64xi1> to vector<64x64xi32>
    %convert_element_type3A_218 = arith.sitofp %convert_element_type3A_217 : vector<64x64xi32> to vector<64x64xf32>
    %dot_general3A_219 = arith.constant dense<0.000000e+00> : vector<1x64xf32>
    %dot_general3A_220 = tpu.matmul %floor3A, %convert_element_type3A_218, %dot_general3A_219 {dimension_numbers = #tpu.dot_dimension_numbers<[1], [0], [0], [1], [0, 0, 1, 1], [], []>, transpose_lhs_hint = false} : vector<1x64xf32>, vector<64x64xf32>, vector<1x64xf32> -> vector<1x64xf32>
    %mul3A_221 = arith.constant 1.280000e+02 : f32
    %mul3A_222 = vector.broadcast %mul3A_221 : f32 to vector<1x64xf32>
    %mul3A_223 = arith.mulf %mul3A_222, %dot_general3A_220 : vector<1x64xf32>
    %add3A_224 = vector.broadcast %mul3A_223 : vector<1x64xf32> to vector<2048x64xf32>
    %add3A_225 = arith.addf %add3A_224, %add3A_205 : vector<2048x64xf32>
    %mul3A_226 = arith.mulf %convert_element_type3A_50, %add3A_225 : vector<2048x64xf32>
    %reduce_sum3A_227 = arith.constant dense<0.000000e+00> : vector<2048xf32>
    %reduce_sum3A_228 = vector.multi_reduction <add>, %mul3A_226, %reduce_sum3A_227 [1] : vector<2048x64xf32> to vector<2048xf32>
    %broadcast_in_dim3A_229 = vector.shape_cast %reduce_sum3A_228 : vector<2048xf32> to vector<2048x1xf32>
    %add3A_230 = vector.broadcast %mul3A_223 : vector<1x64xf32> to vector<2048x64xf32>
    %add3A_231 = arith.addf %add3A_230, %add3A_207 : vector<2048x64xf32>
    %mul3A_232 = arith.mulf %convert_element_type3A_52, %add3A_231 : vector<2048x64xf32>
    %reduce_sum3A_233 = arith.constant dense<0.000000e+00> : vector<2048xf32>
    %reduce_sum3A_234 = vector.multi_reduction <add>, %mul3A_232, %reduce_sum3A_233 [1] : vector<2048x64xf32> to vector<2048xf32>
    %broadcast_in_dim3A_235 = vector.shape_cast %reduce_sum3A_234 : vector<2048xf32> to vector<2048x1xf32>
    %convert_element_type3A_236 = arith.fptosi %broadcast_in_dim3A_229 : vector<2048x1xf32> to vector<2048x1xi32>
    %swap3A_237 = arith.constant 0 : index
    %swap3A_238 = arith.constant 0 : index
    %swap3A_239 = vector.load %arg3[%swap3A_237, %swap3A_238] : memref<2048x2xi32, #tpu.memory_space<vmem>>, vector<2048x1xi32>
    tpu.vector_store %arg3[%swap3A_237, %swap3A_238], %convert_element_type3A_236 {strides = array<i32>} : memref<2048x2xi32, #tpu.memory_space<vmem>>, vector<2048x1xi32>,
    %convert_element_type3A_240 = arith.fptosi %broadcast_in_dim3A_235 : vector<2048x1xf32> to vector<2048x1xi32>
    %swap3A_241 = arith.constant 0 : index
    %swap3A_242 = arith.constant 1 : index
    %swap3A_243 = vector.load %arg3[%swap3A_241, %swap3A_242] : memref<2048x2xi32, #tpu.memory_space<vmem>>, vector<2048x1xi32>
    tpu.vector_store %arg3[%swap3A_241, %swap3A_242], %convert_element_type3A_240 {strides = array<i32>} : memref<2048x2xi32, #tpu.memory_space<vmem>>, vector<2048x1xi32>,
    %iota3A_244 = tpu.iota {dimensions = array<i32: 0>} : vector<128x64xi32>
    %convert_element_type3A_245 = arith.sitofp %iota3A_244 : vector<128x64xi32> to vector<128x64xf32>
    %le3A = vector.broadcast %dot_general3A_220 : vector<1x64xf32> to vector<128x64xf32>
    %le3A_246 = arith.cmpf ole, %le3A, %convert_element_type3A_245 : vector<128x64xf32>
    %convert_element_type3A_247 = arith.extui %le3A_246 : vector<128x64xi1> to vector<128x64xi32>
    %convert_element_type3A_248 = arith.sitofp %convert_element_type3A_247 : vector<128x64xi32> to vector<128x64xf32>
    %reduce_sum3A_249 = arith.constant dense<0.000000e+00> : vector<128xf32>
    %reduce_sum3A_250 = vector.multi_reduction <add>, %convert_element_type3A_248, %reduce_sum3A_249 [1] : vector<128x64xf32> to vector<128xf32>
    %broadcast_in_dim3A_251 = vector.shape_cast %reduce_sum3A_250 : vector<128xf32> to vector<128x1xf32>
    %sub3A_252 = arith.constant 1.000000e+00 : f32
    %sub3A_253 = vector.broadcast %sub3A_252 : f32 to vector<128x1xf32>
    %sub3A_254 = arith.subf %broadcast_in_dim3A_251, %sub3A_253 : vector<128x1xf32>
    %convert_element_type3A_255 = arith.fptosi %sub3A_254 : vector<128x1xf32> to vector<128x1xi32>
    %swap3A_256 = arith.constant 0 : index
    %swap3A_257 = arith.constant 0 : index
    %swap3A_258 = vector.load %arg4[%swap3A_256, %swap3A_257] : memref<128x1xi32, #tpu.memory_space<vmem>>, vector<128x1xi32>
    tpu.vector_store %arg4[%swap3A_256, %swap3A_257], %convert_element_type3A_255 {strides = array<i32>} : memref<128x1xi32, #tpu.memory_space<vmem>>, vector<128x1xi32>,
    %reduce_sum3A_259 = arith.constant dense<0.000000e+00> : vector<1xf32>
    %reduce_sum3A_260 = vector.multi_reduction <add>, %floor3A, %reduce_sum3A_259 [1] : vector<1x64xf32> to vector<1xf32>
    %broadcast_in_dim3A_261 = vector.shape_cast %reduce_sum3A_260 : vector<1xf32> to vector<1x1xf32>
    %convert_element_type3A_262 = arith.fptosi %broadcast_in_dim3A_261 : vector<1x1xf32> to vector<1x1xi32>
    %swap3A_263 = arith.constant 0 : index
    %swap3A_264 = arith.constant 0 : index
    %swap3A_265 = vector.load %arg5[%swap3A_263, %swap3A_264] : memref<1x1xi32, #tpu.memory_space<vmem>>, vector<1x1xi32>
    tpu.vector_store %arg5[%swap3A_263, %swap3A_264], %convert_element_type3A_262 {strides = array<i32>} : memref<1x1xi32, #tpu.memory_space<vmem>>, vector<1x1xi32>,
    return
  }
}

</mosaic_0001>

<sc_bundles>
// kernel: kernel.10.cloned.1.call-start
scs
__scs_entry_jumppad:
0x0: {  	(pc) =	sbr.rel $0x88, $3  }
0x1: {  	(tag) =	ssettag $0x0;
	lr =	simm.s32 $0x1  }
0x2: {  	[smem:$0x3F99] =	sst lr;
	_ =	strace $0xD0000000  }
0x3: {  	_ = 	snop  }
0x4: {  	_ = 	snop  }
0x5: {  	_ = 	snop  }
0x6: {  	_ = 	snop  }
0x7: {  	_ = 	snop  }
__scs_overlays_trampoline_lowered:
0x8: {  	[smem:$0x3FA8] =	sst s0  }
0x9: {  	[smem:$0x3FA9] =	sst s1  }
0xa: {  	[smem:$0x3FAA] =	sst s2  }
0xb: {  	[smem:$0x3FAB] =	sst s3  }
0xc: {  	[smem:$0x3FAC] =	sst s4  }
0xd: {  	[smem:$0x3FAD] =	sst s5  }
0xe: {  	[smem:$0x3FAE] =	sst s6  }
0xf: {  	[smem:$0x3FAF] =	sst s7  }
0x10: {  	[smem:$0x3FB0] =	sst s8  }
0x11: {  	[smem:$0x3FB1] =	sst s9;
	s0 =	simm.s32 @!p0 $0x0  }
0x12: {  	s1 =	sld [smem:$0x3F97];
	s0 =	simm.s32 @p0 $0x1  }
0x13: {  	[smem:$0x3FB2] =	sst s0;
	s0 =	simm.s32 @!p1 $0x0  }
0x14: {  	s2 =	sld [smem:$0x3F96];
	s0 =	simm.s32 @p1 $0x1  }
0x15: {  	[smem:$0x3FB3] =	sst s0;
	s0 =	simm.s32 @!p2 $0x0  }
0x16: {  	s3 =	sld [smem:$0x3FDB];
	s0 =	simm.s32 @p2 $0x1  }
0x17: {  	s4 =	simm.s32 $0x1BF5;
	[smem:$0x3FB5] =	sst s0  }
0x18: {  	s0 =	sld [smem:$0x3F98];
	_ =	swait.ge [sflag:s4], $0x0  }
0x19: {  	s7 =	sld [smem:$0x3F99]  }
0x1a: {  	s8 =	sadd.s32 $0xFFFFE003, lr  }
0x1b: {  	s9 =	sadd.s32 $0xFFFFFEF7, lr;
	s5 =	simm.s32 $0xFFFFFFFF;
	p2 =	slt.u32 s8, $0xFFFFF086  }
0x1c: {  	p1 =	slt.u32 s9, $0xF7A;
	s5 =	simm.s32 @!p2 $0x0  }
0x1d: {  	s5 =	simm.s32 @p1 $0x1;
	p0 =	seq.s32 s7, s2  }
0x1e: {  	s7 =	smul.u32 @!p0 $0xF7A, s2;
	p2 =	seq.s32 @!p0 s5, $0x0  }
0x1f: {  	s9 =	smul.u32 $0xF7A, s1;
	s8 =	simm.s32 @!p0 $0x1BF5;
	p2 =	por !p2, p0  }
0x20: {  	[sflag:s8] =	ssyncset.s32 @!p0 $0xFFFFF086;
	s6 =	sadd.s32 @!p0 s3, s7;
	s7 =	simm.s32 @!p0 $0x108  }
0x21: {  	s3 =	sadd.s32 s3, s9;
	s6 =	sadd.s32 @!p0 $0x88, s6;
	s7 =	simm.s32 @p2 $0x1082  }
0x22: {  	[simem:s7], [sflag:s8] =	dma.local @!p0 [hbm:s6], $0xF7A  }
0x23: {  	s9 =	sor.u32 $0xD0000000, s2;
	s6 =	simm.s32 $0x108;
	_ =	swait.ge @!p0 [sflag:s8], $0x0  }
0x24: {  	s3 =	sadd.s32 $0x88, s3;
	s6 =	simm.s32 @!p1 $0x1082;
	[sflag:s4] =	ssyncset.s32 $0xFFFFF086  }
0x25: {  	[simem:s6], [sflag:s4] =	dma.local [hbm:s3], $0xF7A  }
0x26: {  	[smem:$0x3F99] =	sst s1;
	(tag) =	ssettag s2;
	_ =	strace s9  }
0x27: {  	s1 =	sld [smem:$0x3FA9]  }
0x28: {  	s2 =	sld [smem:$0x3FAA]  }
0x29: {  	s4 =	sld [smem:$0x3FAC]  }
0x2a: {  	p0 =	seq.s32 s5, $0x0;
	s5 =	sld [smem:$0x3FAD]  }
0x2b: {  	s6 =	sld [smem:$0x3FAE]  }
0x2c: {  	s7 =	sld [smem:$0x3FAF]  }
0x2d: {  	s3 =	simm.s32 $0x108;
	s8 =	sld [smem:$0x3FB0]  }
0x2e: {  	s3 =	simm.s32 @!p0 $0x1082;
	s9 =	sld [smem:$0x3FB1]  }
0x2f: {  	lr =	sadd.s32 s0, s3;
	s0 =	sld [smem:$0x3FA8]  }
0x30: {  	s3 =	sld [smem:$0x3FAB]  }
0x31: {  	[smem:$0x3FB4] =	sst s10  }
0x32: {  	s10 =	sld [smem:$0x3FB2];
	_ =	sdelay $0x3  }
0x33: {  	p0 =	seq.s32 s10, $0x1;
	s10 =	sld [smem:$0x3FB4];
	_ =	sdelay $0x3  }
0x34: {  	[smem:$0x3FB4] =	sst s10  }
0x35: {  	s10 =	sld [smem:$0x3FB3];
	_ =	sdelay $0x3  }
0x36: {  	p1 =	seq.s32 s10, $0x1;
	s10 =	sld [smem:$0x3FB4];
	_ =	sdelay $0x3  }
0x37: {  	[smem:$0x3FB4] =	sst s10  }
0x38: {  	s10 =	sld [smem:$0x3FB5]  }
0x39: {  	_ = 	snop;
	(pc) =	sbr.ind lr, $3  }
0x3a: {  	_ = 	snop  }
0x3b: {  	_ = 	snop  }
0x3c: {  	p2 =	seq.s32 s10, $0x1;
	s10 =	sld [smem:$0x3FB4]  }
0x3d: {  	_ =	shalt  }
0x3e: {  	_ =	shalt  }
0x3f: {  	_ =	shalt  }
0x40: {  	_ =	shalt  }
0x41: {  	_ =	shalt  }
0x42: {  	_ =	shalt  }
0x43: {  	_ =	shalt  }
0x44: {  	_ =	shalt  }
0x45: {  	_ =	shalt  }
0x46: {  	_ =	shalt  }
0x47: {  	_ =	shalt  }
0x48: {  	_ =	shalt  }
0x49: {  	_ =	shalt  }
0x4a: {  	_ =	shalt  }
0x4b: {  	_ =	shalt  }
0x4c: {  	_ =	shalt  }
0x4d: {  	_ =	shalt  }
0x4e: {  	_ =	shalt  }
0x4f: {  	_ =	shalt  }
0x50: {  	_ =	shalt  }
0x51: {  	_ =	shalt  }
0x52: {  	_ =	shalt  }
0x53: {  	_ =	shalt  }
0x54: {  	_ =	shalt  }
0x55: {  	_ =	shalt  }
0x56: {  	_ =	shalt  }
0x57: {  	_ =	shalt  }
0x58: {  	_ =	shalt  }
0x59: {  	_ =	shalt  }
0x5a: {  	_ =	shalt  }
0x5b: {  	_ =	shalt  }
0x5c: {  	_ =	shalt  }
0x5d: {  	_ =	shalt  }
0x5e: {  	_ =	shalt  }
0x5f: {  	_ =	shalt  }
0x60: {  	_ =	shalt  }
0x61: {  	_ =	shalt  }
0x62: {  	_ =	shalt  }
0x63: {  	_ =	shalt  }
0x64: {  	_ =	shalt  }
0x65: {  	_ =	shalt  }
0x66: {  	_ =	shalt  }
0x67: {  	_ =	shalt  }
0x68: {  	_ =	shalt  }
0x69: {  	_ =	shalt  }
0x6a: {  	_ =	shalt  }
0x6b: {  	_ =	shalt  }
0x6c: {  	_ =	shalt  }
0x6d: {  	_ =	shalt  }
0x6e: {  	_ =	shalt  }
0x6f: {  	_ =	shalt  }
0x70: {  	_ =	shalt  }
0x71: {  	_ =	shalt  }
0x72: {  	_ =	shalt  }
0x73: {  	_ =	shalt  }
0x74: {  	_ =	shalt  }
0x75: {  	_ =	shalt  }
0x76: {  	_ =	shalt  }
0x77: {  	_ =	shalt  }
0x78: {  	_ =	shalt  }
0x79: {  	_ =	shalt  }
0x7a: {  	_ =	shalt  }
0x7b: {  	_ =	shalt  }
0x7c: {  	_ =	shalt  }
0x7d: {  	_ =	shalt  }
0x7e: {  	_ =	shalt  }
0x7f: {  	_ =	shalt  }
0x80: {  	_ =	shalt  }
0x81: {  	_ =	shalt  }
0x82: {  	_ =	shalt  }
0x83: {  	_ =	shalt  }
0x84: {  	_ =	shalt  }
0x85: {  	_ =	shalt  }
0x86: {  	_ =	shalt  }
0x87: {  	_ =	shalt  }
.Lfunc_end0:
.L_simem_size_0:
called_computation.1_lowered:
.L_overlay_start_0:
0x88: {  	s2 =	sld [smem:$0x3FD9]  }
0x89: {  	s3 =	sld [smem:$0x3FFE];
	_ =	sdelay $0x1  }
0x8a: {  	s1 =	srdreg.scid  }
0x8b: {  	s0 =	sand.u32 $0x1, s1  }
0x8c: {  	s17 =	sshll.u32 s0, $0xA;
	s2 =	sadd.s32 s3, s2  }
0x8d: {  	s2 =	sadd.s32 s2, s17  }
0x8e: {  	[smem:$0x3FC0] =	sst s2  }
0x8f: {  	_ = 	snop  }
0x90: {  	s2 =	sld [smem:$0x3FD0];
	(tm) =	ssettm $0x1  }
0x91: {  	s18 =	sld [smem:$0x3FFB];
	_ =	sdelay $0x3  }
0x92: {  	_ =	strace s18  }
0x93: {  	s3 =	sld [smem:$0x3FFC];
	_ =	sdelay $0x3  }
0x94: {  	_ =	strace s3  }
0x95: {  	s3 =	sld [smem:$0x3FFD];
	_ =	sdelay $0x3  }
0x96: {  	_ =	strace s3  }
0x97: {  	_ =	strace $0x8FFFFFFF  }
0x98: {  	s19 =	sld [smem:$0x3FDB];
	_ =	sdelay $0x1  }
0x99: {  	s4 =	simm.s32 $_scs_section_size  }
0x9a: {  	s5 =	simm.s32 $_size__tile_overlayer_lowered;
	s6 =	simm.s32 $_tile_overlayer_lowered  }
0x9b: {  	s22 =	simm.s32 $0x1BFF;
	s21 =	sshll.u32 s6, $0x1;
	s3 =	sadd.s32 s4, s19  }
0x9c: {  	s7 =	simm.s32 $0x0;
	s20 =	sshll.u32 s5, $0x1;
	s5 =	sadd.s32 s21, s3  }
0x9d: {  	[timem:s7], [sflag:s22] =	dma.local [hbm:s5], s20  }
0x9e: {  	_ =	swait.ge [sflag:s22], s20  }
0x9f: {  	s4 =	ssub.s32 $0x0, s20;
	[sflag:s22] =	ssyncset.done $0x0  }
0xa0: {  	[sflag:s22] =	ssyncadd.s32 s4;
	_ =	sdelay $0x1  }
0xa1: {  	s23 =	simm.s32 $0x1B8B  }
0xa2: {  	_ =	swait.ge [sflag:s23], $0x1  }
0xa3: {  	[sflag:s23] =	ssyncset.done $0x0  }
0xa4: {  	s25 =	simm.s32 $0x1B8E;
	s24 =	sld [smem:$0x3FFE];
	[sflag:s23] =	ssyncadd.s32 $0xFFFFFFFF  }
0xa5: {  	s26 =	simm.s32 $execute0_lowered;
	[smem:$0x3FD2] =	sst s25  }
0xa6: {  	s5 =	sshll.u32 s26, $0x1;
	_ =	strace $0x80000049;
	[dreg:$0x1] =	wrdreg $0xFFFFFFFF  }
0xa7: {  	s28 =	simm.s32 $_size_execute0_lowered;
	s3 =	sadd.s32 s3, s5;
	[dreg:$0x0] =	wrdreg $0x0  }
0xa8: {  	s5 =	sshll.u32 s28, $0x1;
	[dreg:$0x2] =	wrdreg s3  }
0xa9: {  	[dreg:$0x3] =	wrdreg s5  }
0xaa: {  	[dreg:$0x4] =	wrdreg $0xC0  }
0xab: {  	_ =	task [dreg:s7], $0x5FFFF  }
0xac: {  	[dreg:$0x1] =	wrdreg $0xFFFFFFFF  }
0xad: {  	[dreg:$0x0] =	wrdreg $0x60  }
0xae: {  	[dreg:$0x2] =	wrdreg s24  }
0xaf: {  	[dreg:$0x3] =	wrdreg s2  }
0xb0: {  	[dreg:$0x4] =	wrdreg $0x9  }
0xb1: {  	_ =	task.clear_ibuf [dreg:s7], $0x5FFFF;
	_ =	strace $0x90000049  }
0xb2: {  	s29 =	simm.s32 $0x9;
	_ =	strace $0x8000004B  }
0xb3: {  	_ =	swait.ge [sflag:s29], $0x1  }
0xb4: {  	[sflag:s29] =	ssyncadd.s32 $0xFFFFFFFF  }
0xb5: {  	_ =	strace $0x9000004B  }
0xb6: {  	_ =	sfence  }
0xb7: {  	s30 =	sld [smem:$0x0];
	_ =	sdelay $0x2  }
0xb8: {  	s31 =	sshll.u32 s1, $0xD;
	s1 =	sshrl.u32 s1, $0x2  }
0xb9: {  	s3 =	sand.u32 $0x4000, s31;
	s1 =	sadd.s32 s1, s30  }
0xba: {  	s0 =	sor.u32 s3, s0;
	s1 =	sshll.u32 s1, $0x11  }
0xbb: {  	s0 =	sor.u32 s1, s0  }
0xbc: {  	s0 =	sadd.s32 $0x8F2B, s0  }
0xbd: {  	[sflag:s0] =	ssyncadd.remote.s32 $0x1  }
0xbe: {  	_ =	sfence.sel $0xFFFF  }
0xbf: {  	[dreg:$0x0] =	wrdreg $0xFFFFFFFF;
	(pc) =	sbr.abs _section_cstart, $3  }
0xc0: {  	[dreg:$0x1] =	wrdreg $0xFFFFFFFF  }
0xc1: {  	_ =	task.clear_ibuf [dreg:s7], $0x2FFFF;
	_ =	strace $0x9FFFFFFF  }
0xc2: {  	(tm) =	ssettm $0x7FFFFFFF  }
0xc3: {  	_ =	shalt  }
tec
execute0_lowered:
.L_overlay_start_1:
0x0: {  	(tag) =	ssettag $0x1  }
0x1: {  	s5 =	rddreg [dreg:$0x0]  }
0x2: {  	s6 =	rddreg [dreg:$0x1]  }
0x3: {  	s2 =	srdreg.scid;
	s0 =	rddreg [dreg:$0x2]  }
0x4: {  	s1 =	stileid.u32;
	s13 =	simm.s32 $0x1080;
	s14 =	simm.s32 $0x1880  }
0x5: {  	s15 =	simm.s32 $0x2080;
	s16 =	simm.s32 $0x2880;
	s17 =	simm.s32 $0x3080  }
0x6: {  	s18 =	simm.s32 $0x3880;
	s19 =	simm.s32 $0x4080;
	s20 =	simm.s32 $0x4880  }
0x7: {  	s21 =	simm.s32 $0x5080;
	s22 =	simm.s32 $0x5880;
	s23 =	simm.s32 $0x6080  }
0x8: {  	s24 =	simm.s32 $0x6880;
	s25 =	simm.s32 $0x7080;
	s26 =	simm.s32 $0x7880  }
0x9: {  	s28 =	simm.s32 $0x1;
	s4 =	sand.u32 $0x1, s2;
	s2 =	simm.s32 $0x0  }
0xa: {  	s3 =	sshll.u32 s1, $0x7;
	s11 =	sadd.s32 $0x1E00, s5;
	s7 =	sshll.u32 s4, $0x6  }
0xb: {  	[smem:$0x7FF] =	sst s2;
	s4 =	ssub.s32 $0x2, s4;
	s8 =	sor.u32 s7, s3  }
0xc: {  	_ =	strace $0x8000004A;
	s3 =	sadd.s32 $0xC2000, s5;
	s12 =	sshrl.u32 s4, $0x1  }
0xd: {  	s5 =	sadd.s32 $0xC2100, s5;
	s9 =	sshll.u32 s8, $0x1;
	s8 =	sshll.u32 s8, $0x6  }
0xe: {  	s12 =	ssub.s32 s4, s12;
	s10 =	sand.u32 $0xF00, s9;
	s6 =	sadd.s32 s6, s8  }
0xf: {  	s10 =	sor.u32 s7, s10;
	s7 =	sor.u32 s7, s9;
	s8 =	sadd.s32 $0x20000, s6  }
0x10: {  	v2 =	vlaneseq.u32;
	s9 =	smax.u32 s12, $0x1;
	s12 =	simm.s32 $0x880;
	s7 =	sshrl.u32 s7, $0x3  }
0x11: {  	vm0 =	vmmov $0xffff;
	v1 =	vshrl.u32 v2, $0x3;
	s31 =	sshrl.u32 s10, $0x3;
	s10 =	simm.s32 $0x2;
	s7 =	sor.u32 $0x10, s7  }
0x12: {  	v0 =	vand.u32 $0x7, v2;
	v2 =	vor.u32 $0x8, v2;
	v1 =	vmul.u32 $0x8, v1;
	s4 =	sadd.s32 s11, s31;
	s7 =	sadd.s32 s11, s7;
	s11 =	simm.s32 $0x80  }
.LBB2_1:
0x13: {  	[tilespmem:s2], [sflag:$0x2] =	stream.linear.gather [hbm4b:s4+s2], $0x40, $0x38;
	[tilespmem:$0x8080] =	vst v63  }
0x14: {  	_ =	swait.ge [sflag:s10], $0x40  }
0x15: {  	[sflag:s10] =	ssyncset.done $0x0  }
0x16: {  	[sflag:s10] =	ssyncadd.s32 $0xFFFFFFC0  }
0x17: {  	v3 =	vld [tilespmem:$0x0];
	_ =	sdelay $0x4  }
0x18: {  	v4 =	vshll.u32 v3, $0x2  }
0x19: {  	v3 =	vand.u32 $0x7, v3;
	v4 =	vand.u32 $0xFFFFFFE0, v4  }
0x1a: {  	v3 =	vor.u32 v3, v4  }
0x1b: {  	v4 =	vperm.xlane v3, v0;
	_ =	sdelay $0x1  }
0x1c: {  	v4 =	vadd.s32 v1, v4;
	_ =	sdelay $0x1  }
0x1d: {  	v3 =	vperm.xlane v3, v2;
	_ =	sdelay $0x1  }
0x1e: {  	v3 =	vadd.s32 v1, v3  }
0x1f: {  	[tilespmem:s11], [sflag:$0x1] =	stream.indirect_vreg.gather [hbm4b:s3+s2], $0x80, v4, vm0, $0xb8;
	[tilespmem:$0x8080] =	vst v63  }
0x20: {  	_ = 	snop  }
0x21: {  	[tilespmem:s12], [sflag:$0x1] =	stream.indirect_vreg.gather [hbm4b:s5+s2], $0x80, v4, vm0, $0xb8;
	[tilespmem:$0x8080] =	vst v63  }
0x22: {  	_ = 	snop  }
0x23: {  	[tilespmem:s13], [sflag:$0x1] =	stream.indirect_vreg.gather [hbm4b:s3+s2], $0x80, v3, vm0, $0xb8;
	[tilespmem:$0x8080] =	vst v63  }
0x24: {  	_ = 	snop  }
0x25: {  	[tilespmem:s14], [sflag:$0x1] =	stream.indirect_vreg.gather [hbm4b:s5+s2], $0x80, v3, vm0, $0xb8;
	[tilespmem:$0x8080] =	vst v63  }
0x26: {  	v3 =	vld [tilespmem:$0x10];
	_ =	sdelay $0x4  }
0x27: {  	v57 =	vshll.u32 v3, $0x2  }
0x28: {  	v3 =	vand.u32 $0x7, v3;
	v4 =	vand.u32 $0xFFFFFFE0, v57  }
0x29: {  	v3 =	vor.u32 v3, v4  }
0x2a: {  	v4 =	vperm.xlane v3, v0;
	_ =	sdelay $0x1  }
0x2b: {  	v4 =	vadd.s32 v1, v4;
	_ =	sdelay $0x1  }
0x2c: {  	v3 =	vperm.xlane v3, v2;
	_ =	sdelay $0x1  }
0x2d: {  	v3 =	vadd.s32 v1, v3  }
0x2e: {  	[tilespmem:s15], [sflag:$0x1] =	stream.indirect_vreg.gather [hbm4b:s3+s2], $0x80, v4, vm0, $0xb8;
	[tilespmem:$0x8080] =	vst v63  }
0x2f: {  	_ = 	snop  }
0x30: {  	[tilespmem:s16], [sflag:$0x1] =	stream.indirect_vreg.gather [hbm4b:s5+s2], $0x80, v4, vm0, $0xb8;
	[tilespmem:$0x8080] =	vst v63  }
0x31: {  	_ = 	snop  }
0x32: {  	[tilespmem:s17], [sflag:$0x1] =	stream.indirect_vreg.gather [hbm4b:s3+s2], $0x80, v3, vm0, $0xb8;
	[tilespmem:$0x8080] =	vst v63  }
0x33: {  	_ = 	snop  }
0x34: {  	[tilespmem:s18], [sflag:$0x1] =	stream.indirect_vreg.gather [hbm4b:s5+s2], $0x80, v3, vm0, $0xb8;
	[tilespmem:$0x8080] =	vst v63  }
0x35: {  	v3 =	vld [tilespmem:$0x20];
	_ =	sdelay $0x4  }
0x36: {  	v58 =	vshll.u32 v3, $0x2  }
0x37: {  	v3 =	vand.u32 $0x7, v3;
	v4 =	vand.u32 $0xFFFFFFE0, v58  }
0x38: {  	v3 =	vor.u32 v3, v4  }
0x39: {  	v4 =	vperm.xlane v3, v0;
	_ =	sdelay $0x1  }
0x3a: {  	v4 =	vadd.s32 v1, v4;
	_ =	sdelay $0x1  }
0x3b: {  	v3 =	vperm.xlane v3, v2;
	_ =	sdelay $0x1  }
0x3c: {  	v3 =	vadd.s32 v1, v3  }
0x3d: {  	[tilespmem:s19], [sflag:$0x1] =	stream.indirect_vreg.gather [hbm4b:s3+s2], $0x80, v4, vm0, $0xb8;
	[tilespmem:$0x8080] =	vst v63  }
0x3e: {  	_ = 	snop  }
0x3f: {  	[tilespmem:s20], [sflag:$0x1] =	stream.indirect_vreg.gather [hbm4b:s5+s2], $0x80, v4, vm0, $0xb8;
	[tilespmem:$0x8080] =	vst v63  }
0x40: {  	_ = 	snop  }
0x41: {  	[tilespmem:s21], [sflag:$0x1] =	stream.indirect_vreg.gather [hbm4b:s3+s2], $0x80, v3, vm0, $0xb8;
	[tilespmem:$0x8080] =	vst v63  }
0x42: {  	_ = 	snop  }
0x43: {  	[tilespmem:s22], [sflag:$0x1] =	stream.indirect_vreg.gather [hbm4b:s5+s2], $0x80, v3, vm0, $0xb8;
	[tilespmem:$0x8080] =	vst v63  }
0x44: {  	v3 =	vld [tilespmem:$0x30];
	_ =	sdelay $0x4  }
0x45: {  	v59 =	vshll.u32 v3, $0x2  }
0x46: {  	v3 =	vand.u32 $0x7, v3;
	v4 =	vand.u32 $0xFFFFFFE0, v59  }
0x47: {  	v3 =	vor.u32 v3, v4  }
0x48: {  	v4 =	vperm.xlane v3, v0;
	_ =	sdelay $0x1  }
0x49: {  	v4 =	vadd.s32 v1, v4;
	_ =	sdelay $0x1  }
0x4a: {  	v3 =	vperm.xlane v3, v2;
	_ =	sdelay $0x1  }
0x4b: {  	v3 =	vadd.s32 v1, v3  }
0x4c: {  	[tilespmem:s23], [sflag:$0x1] =	stream.indirect_vreg.gather [hbm4b:s3+s2], $0x80, v4, vm0, $0xb8;
	[tilespmem:$0x8080] =	vst v63  }
0x4d: {  	_ = 	snop  }
0x4e: {  	[tilespmem:s24], [sflag:$0x1] =	stream.indirect_vreg.gather [hbm4b:s5+s2], $0x80, v4, vm0, $0xb8;
	[tilespmem:$0x8080] =	vst v63  }
0x4f: {  	_ = 	snop  }
0x50: {  	[tilespmem:s25], [sflag:$0x1] =	stream.indirect_vreg.gather [hbm4b:s3+s2], $0x80, v3, vm0, $0xb8;
	[tilespmem:$0x8080] =	vst v63  }
0x51: {  	_ = 	snop  }
0x52: {  	[tilespmem:s26], [sflag:$0x1] =	stream.indirect_vreg.gather [hbm4b:s5+s2], $0x80, v3, vm0, $0xb8;
	[tilespmem:$0x8080] =	vst v63  }
0x53: {  	_ =	swait.ge [sflag:s28], $0x8000  }
0x54: {  	[sflag:s28] =	ssyncset.done $0x0  }
0x55: {  	[sflag:s28] =	ssyncadd.s32 $0xFFFF8000  }
0x56: {  	[hbm4b:s6+s2] =	stream.linear.scatter [tilespmem:s11], [sflag:$0x2], $0x8000, $0x38;
	[tilespmem:$0x8080] =	vst v63  }
0x57: {  	_ =	swait.ge [sflag:s10], $0x8000  }
0x58: {  	[sflag:s10] =	ssyncset.done $0x0  }
0x59: {  	[sflag:s10] =	ssyncadd.s32 $0xFFFF8000  }
0x5a: {  	[tilespmem:s2], [sflag:$0x2] =	stream.linear.gather [hbm4b:s7+s2], $0x40, $0x38;
	[tilespmem:$0x8080] =	vst v63  }
0x5b: {  	_ =	swait.ge [sflag:s10], $0x40  }
0x5c: {  	[sflag:s10] =	ssyncset.done $0x0  }
0x5d: {  	[sflag:s10] =	ssyncadd.s32 $0xFFFFFFC0  }
0x5e: {  	v3 =	vld [tilespmem:$0x0];
	_ =	sdelay $0x4  }
0x5f: {  	v60 =	vshll.u32 v3, $0x2  }
0x60: {  	v3 =	vand.u32 $0x7, v3;
	v4 =	vand.u32 $0xFFFFFFE0, v60  }
0x61: {  	v3 =	vor.u32 v3, v4  }
0x62: {  	v4 =	vperm.xlane v3, v0;
	_ =	sdelay $0x1  }
0x63: {  	v4 =	vadd.s32 v1, v4;
	_ =	sdelay $0x1  }
0x64: {  	v3 =	vperm.xlane v3, v2;
	_ =	sdelay $0x1  }
0x65: {  	v3 =	vadd.s32 v1, v3  }
0x66: {  	[tilespmem:s11], [sflag:$0x1] =	stream.indirect_vreg.gather [hbm4b:s3+s2], $0x80, v4, vm0, $0xb8;
	[tilespmem:$0x8080] =	vst v63  }
0x67: {  	_ = 	snop  }
0x68: {  	[tilespmem:s12], [sflag:$0x1] =	stream.indirect_vreg.gather [hbm4b:s5+s2], $0x80, v4, vm0, $0xb8;
	[tilespmem:$0x8080] =	vst v63  }
0x69: {  	_ = 	snop  }
0x6a: {  	[tilespmem:s13], [sflag:$0x1] =	stream.indirect_vreg.gather [hbm4b:s3+s2], $0x80, v3, vm0, $0xb8;
	[tilespmem:$0x8080] =	vst v63  }
0x6b: {  	_ = 	snop  }
0x6c: {  	[tilespmem:s14], [sflag:$0x1] =	stream.indirect_vreg.gather [hbm4b:s5+s2], $0x80, v3, vm0, $0xb8;
	[tilespmem:$0x8080] =	vst v63  }
0x6d: {  	v3 =	vld [tilespmem:$0x10];
	_ =	sdelay $0x4  }
0x6e: {  	v61 =	vshll.u32 v3, $0x2  }
0x6f: {  	v3 =	vand.u32 $0x7, v3;
	v4 =	vand.u32 $0xFFFFFFE0, v61  }
0x70: {  	v3 =	vor.u32 v3, v4  }
0x71: {  	v4 =	vperm.xlane v3, v0;
	_ =	sdelay $0x1  }
0x72: {  	v4 =	vadd.s32 v1, v4;
	_ =	sdelay $0x1  }
0x73: {  	v3 =	vperm.xlane v3, v2;
	_ =	sdelay $0x1  }
0x74: {  	v3 =	vadd.s32 v1, v3  }
0x75: {  	[tilespmem:s15], [sflag:$0x1] =	stream.indirect_vreg.gather [hbm4b:s3+s2], $0x80, v4, vm0, $0xb8;
	[tilespmem:$0x8080] =	vst v63  }
0x76: {  	_ = 	snop  }
0x77: {  	[tilespmem:s16], [sflag:$0x1] =	stream.indirect_vreg.gather [hbm4b:s5+s2], $0x80, v4, vm0, $0xb8;
	[tilespmem:$0x8080] =	vst v63  }
0x78: {  	_ = 	snop  }
0x79: {  	[tilespmem:s17], [sflag:$0x1] =	stream.indirect_vreg.gather [hbm4b:s3+s2], $0x80, v3, vm0, $0xb8;
	[tilespmem:$0x8080] =	vst v63  }
0x7a: {  	_ = 	snop  }
0x7b: {  	[tilespmem:s18], [sflag:$0x1] =	stream.indirect_vreg.gather [hbm4b:s5+s2], $0x80, v3, vm0, $0xb8;
	[tilespmem:$0x8080] =	vst v63  }
0x7c: {  	v3 =	vld [tilespmem:$0x20];
	_ =	sdelay $0x4  }
0x7d: {  	v62 =	vshll.u32 v3, $0x2  }
0x7e: {  	v3 =	vand.u32 $0x7, v3;
	v4 =	vand.u32 $0xFFFFFFE0, v62  }
0x7f: {  	v3 =	vor.u32 v3, v4  }
0x80: {  	v4 =	vperm.xlane v3, v0;
	_ =	sdelay $0x1  }
0x81: {  	v4 =	vadd.s32 v1, v4;
	_ =	sdelay $0x1  }
0x82: {  	v3 =	vperm.xlane v3, v2;
	_ =	sdelay $0x1  }
0x83: {  	v3 =	vadd.s32 v1, v3  }
0x84: {  	[tilespmem:s19], [sflag:$0x1] =	stream.indirect_vreg.gather [hbm4b:s3+s2], $0x80, v4, vm0, $0xb8;
	[tilespmem:$0x8080] =	vst v63  }
0x85: {  	_ = 	snop  }
0x86: {  	[tilespmem:s20], [sflag:$0x1] =	stream.indirect_vreg.gather [hbm4b:s5+s2], $0x80, v4, vm0, $0xb8;
	[tilespmem:$0x8080] =	vst v63  }
0x87: {  	_ = 	snop  }
0x88: {  	[tilespmem:s21], [sflag:$0x1] =	stream.indirect_vreg.gather [hbm4b:s3+s2], $0x80, v3, vm0, $0xb8;
	[tilespmem:$0x8080] =	vst v63  }
0x89: {  	_ = 	snop  }
0x8a: {  	[tilespmem:s22], [sflag:$0x1] =	stream.indirect_vreg.gather [hbm4b:s5+s2], $0x80, v3, vm0, $0xb8;
	[tilespmem:$0x8080] =	vst v63  }
0x8b: {  	v3 =	vld [tilespmem:$0x30];
	_ =	sdelay $0x4  }
0x8c: {  	v63 =	vshll.u32 v3, $0x2  }
0x8d: {  	v3 =	vand.u32 $0x7, v3;
	v4 =	vand.u32 $0xFFFFFFE0, v63  }
0x8e: {  	v3 =	vor.u32 v3, v4  }
0x8f: {  	v4 =	vperm.xlane v3, v0;
	_ =	sdelay $0x1  }
0x90: {  	v4 =	vadd.s32 v1, v4;
	_ =	sdelay $0x1  }
0x91: {  	v3 =	vperm.xlane v3, v2;
	_ =	sdelay $0x1  }
0x92: {  	v3 =	vadd.s32 v1, v3  }
0x93: {  	[tilespmem:s23], [sflag:$0x1] =	stream.indirect_vreg.gather [hbm4b:s3+s2], $0x80, v4, vm0, $0xb8;
	[tilespmem:$0x8080] =	vst v63  }
0x94: {  	_ = 	snop  }
0x95: {  	[tilespmem:s24], [sflag:$0x1] =	stream.indirect_vreg.gather [hbm4b:s5+s2], $0x80, v4, vm0, $0xb8;
	[tilespmem:$0x8080] =	vst v63  }
0x96: {  	_ = 	snop  }
0x97: {  	[tilespmem:s25], [sflag:$0x1] =	stream.indirect_vreg.gather [hbm4b:s3+s2], $0x80, v3, vm0, $0xb8;
	[tilespmem:$0x8080] =	vst v63  }
0x98: {  	_ = 	snop  }
0x99: {  	[tilespmem:s26], [sflag:$0x1] =	stream.indirect_vreg.gather [hbm4b:s5+s2], $0x80, v3, vm0, $0xb8;
	[tilespmem:$0x8080] =	vst v63  }
0x9a: {  	_ =	swait.ge [sflag:s28], $0x8000  }
0x9b: {  	p0 =	sne.s32 s9, $0x1;
	[sflag:s28] =	ssyncset.done $0x0  }
.Ltmp0:
0x9c: {  	[sflag:s28] =	ssyncadd.s32 $0xFFFF8000;
	(pc) =	sbr.rel @p0 .LBB2_1-.Ltmp0, $4  }
0x9d: {  	[hbm4b:s8+s2] =	stream.linear.scatter [tilespmem:s11], [sflag:$0x2], $0x8000, $0x38;
	[tilespmem:$0x8080] =	vst v63  }
0x9e: {  	_ =	swait.ge [sflag:s10], $0x8000  }
0x9f: {  	[sflag:s10] =	ssyncset.done $0x0  }
0xa0: {  	s9 =	sadd.s32 $0xFFFFFFFF, s9;
	[sflag:s10] =	ssyncadd.s32 $0xFFFF8000  }
0xa1: {  	_ =	sfence.sel $0x180000  }
0xa2: {  	[bflag:$0x0] =	sbarrier.arrive $0xFFFF  }
0xa3: {  	p0 =	sne.s32 s1, $0x0;
	_ =	strace $0x9000004A  }
0xa4: {  	s0 =	sadd.s32 @!p0 $0x100000, s0;
	[bflag:$0x2] =	sbarrier.arrive $0xFFFF  }
0xa5: {  	[sflag:s0] =	ssyncadd.tile.s32 @!p0 $0x1;
	_ =	shalt  }
.Lfunc_end2:
_tile_overlayer_lowered:
.L_overlay_start_2:
0xa6: {  	(tag) =	ssettag $0x2  }
0xa7: {  	s0 =	rddreg [dreg:$0x0];
	s2 =	stileid.u32  }
0xa8: {  	s1 =	rddreg [dreg:$0x1];
	p0 =	sne.s32 s2, $0x0  }
0xa9: {  	s3 =	rddreg [dreg:$0x2];
	[bflag:$0x3] =	sbarrier.arrive $0xFFFF;
	s2 =	simm.s32 @!p0 $0x1C02  }
0xaa: {  	[timem:s3], [sflag:s2] =	dma.local @!p0 [hbm:s0], s1  }
0xab: {  	s0 =	simm.s32 @!p0 $0x2  }
0xac: {  	_ =	swait.ge @!p0 [sflag:s0], s1  }
0xad: {  	s1 =	ssub.s32 @!p0 $0x0, s1;
	[sflag:s0] =	ssyncset.done @!p0 $0x0  }
0xae: {  	[sflag:s0] =	ssyncadd.s32 @!p0 s1  }
0xaf: {  	[bflag:$0x3] =	sbarrier.arrive $0xFFFF  }
0xb0: {  	_ =	shalt  }

// kernel: kernel.7.cloned.1.call-start
scs
__scs_entry_jumppad:
0x0: {  	(pc) =	sbr.rel $0x88, $3  }
0x1: {  	(tag) =	ssettag $0x0;
	lr =	simm.s32 $0x1  }
0x2: {  	[smem:$0x3F99] =	sst lr;
	_ =	strace $0xD0000000  }
0x3: {  	_ = 	snop  }
0x4: {  	_ = 	snop  }
0x5: {  	_ = 	snop  }
0x6: {  	_ = 	snop  }
0x7: {  	_ = 	snop  }
__scs_overlays_trampoline_lowered:
0x8: {  	[smem:$0x3FA8] =	sst s0  }
0x9: {  	[smem:$0x3FA9] =	sst s1  }
0xa: {  	[smem:$0x3FAA] =	sst s2  }
0xb: {  	[smem:$0x3FAB] =	sst s3  }
0xc: {  	[smem:$0x3FAC] =	sst s4  }
0xd: {  	[smem:$0x3FAD] =	sst s5  }
0xe: {  	[smem:$0x3FAE] =	sst s6  }
0xf: {  	[smem:$0x3FAF] =	sst s7  }
0x10: {  	[smem:$0x3FB0] =	sst s8  }
0x11: {  	[smem:$0x3FB1] =	sst s9;
	s0 =	simm.s32 @!p0 $0x0  }
0x12: {  	s1 =	sld [smem:$0x3F97];
	s0 =	simm.s32 @p0 $0x1  }
0x13: {  	[smem:$0x3FB2] =	sst s0;
	s0 =	simm.s32 @!p1 $0x0  }
0x14: {  	s2 =	sld [smem:$0x3F96];
	s0 =	simm.s32 @p1 $0x1  }
0x15: {  	[smem:$0x3FB3] =	sst s0;
	s0 =	simm.s32 @!p2 $0x0  }
0x16: {  	s3 =	sld [smem:$0x3FDB];
	s0 =	simm.s32 @p2 $0x1  }
0x17: {  	s4 =	simm.s32 $0x1BF5;
	[smem:$0x3FB5] =	sst s0  }
0x18: {  	s0 =	sld [smem:$0x3F98];
	_ =	swait.ge [sflag:s4], $0x0  }
0x19: {  	s7 =	sld [smem:$0x3F99]  }
0x1a: {  	s8 =	sadd.s32 $0xFFFFE003, lr  }
0x1b: {  	s9 =	sadd.s32 $0xFFFFFEF7, lr;
	s5 =	simm.s32 $0xFFFFFFFF;
	p2 =	slt.u32 s8, $0xFFFFF086  }
0x1c: {  	p1 =	slt.u32 s9, $0xF7A;
	s5 =	simm.s32 @!p2 $0x0  }
0x1d: {  	s5 =	simm.s32 @p1 $0x1;
	p0 =	seq.s32 s7, s2  }
0x1e: {  	s7 =	smul.u32 @!p0 $0xF7A, s2;
	p2 =	seq.s32 @!p0 s5, $0x0  }
0x1f: {  	s9 =	smul.u32 $0xF7A, s1;
	s8 =	simm.s32 @!p0 $0x1BF5;
	p2 =	por !p2, p0  }
0x20: {  	[sflag:s8] =	ssyncset.s32 @!p0 $0xFFFFF086;
	s6 =	sadd.s32 @!p0 s3, s7;
	s7 =	simm.s32 @!p0 $0x108  }
0x21: {  	s3 =	sadd.s32 s3, s9;
	s6 =	sadd.s32 @!p0 $0x88, s6;
	s7 =	simm.s32 @p2 $0x1082  }
0x22: {  	[simem:s7], [sflag:s8] =	dma.local @!p0 [hbm:s6], $0xF7A  }
0x23: {  	s9 =	sor.u32 $0xD0000000, s2;
	s6 =	simm.s32 $0x108;
	_ =	swait.ge @!p0 [sflag:s8], $0x0  }
0x24: {  	s3 =	sadd.s32 $0x88, s3;
	s6 =	simm.s32 @!p1 $0x1082;
	[sflag:s4] =	ssyncset.s32 $0xFFFFF086  }
0x25: {  	[simem:s6], [sflag:s4] =	dma.local [hbm:s3], $0xF7A  }
0x26: {  	[smem:$0x3F99] =	sst s1;
	(tag) =	ssettag s2;
	_ =	strace s9  }
0x27: {  	s1 =	sld [smem:$0x3FA9]  }
0x28: {  	s2 =	sld [smem:$0x3FAA]  }
0x29: {  	s4 =	sld [smem:$0x3FAC]  }
0x2a: {  	p0 =	seq.s32 s5, $0x0;
	s5 =	sld [smem:$0x3FAD]  }
0x2b: {  	s6 =	sld [smem:$0x3FAE]  }
0x2c: {  	s7 =	sld [smem:$0x3FAF]  }
0x2d: {  	s3 =	simm.s32 $0x108;
	s8 =	sld [smem:$0x3FB0]  }
0x2e: {  	s3 =	simm.s32 @!p0 $0x1082;
	s9 =	sld [smem:$0x3FB1]  }
0x2f: {  	lr =	sadd.s32 s0, s3;
	s0 =	sld [smem:$0x3FA8]  }
0x30: {  	s3 =	sld [smem:$0x3FAB]  }
0x31: {  	[smem:$0x3FB4] =	sst s10  }
0x32: {  	s10 =	sld [smem:$0x3FB2];
	_ =	sdelay $0x3  }
0x33: {  	p0 =	seq.s32 s10, $0x1;
	s10 =	sld [smem:$0x3FB4];
	_ =	sdelay $0x3  }
0x34: {  	[smem:$0x3FB4] =	sst s10  }
0x35: {  	s10 =	sld [smem:$0x3FB3];
	_ =	sdelay $0x3  }
0x36: {  	p1 =	seq.s32 s10, $0x1;
	s10 =	sld [smem:$0x3FB4];
	_ =	sdelay $0x3  }
0x37: {  	[smem:$0x3FB4] =	sst s10  }
0x38: {  	s10 =	sld [smem:$0x3FB5]  }
0x39: {  	_ = 	snop;
	(pc) =	sbr.ind lr, $3  }
0x3a: {  	_ = 	snop  }
0x3b: {  	_ = 	snop  }
0x3c: {  	p2 =	seq.s32 s10, $0x1;
	s10 =	sld [smem:$0x3FB4]  }
0x3d: {  	_ =	shalt  }
0x3e: {  	_ =	shalt  }
0x3f: {  	_ =	shalt  }
0x40: {  	_ =	shalt  }
0x41: {  	_ =	shalt  }
0x42: {  	_ =	shalt  }
0x43: {  	_ =	shalt  }
0x44: {  	_ =	shalt  }
0x45: {  	_ =	shalt  }
0x46: {  	_ =	shalt  }
0x47: {  	_ =	shalt  }
0x48: {  	_ =	shalt  }
0x49: {  	_ =	shalt  }
0x4a: {  	_ =	shalt  }
0x4b: {  	_ =	shalt  }
0x4c: {  	_ =	shalt  }
0x4d: {  	_ =	shalt  }
0x4e: {  	_ =	shalt  }
0x4f: {  	_ =	shalt  }
0x50: {  	_ =	shalt  }
0x51: {  	_ =	shalt  }
0x52: {  	_ =	shalt  }
0x53: {  	_ =	shalt  }
0x54: {  	_ =	shalt  }
0x55: {  	_ =	shalt  }
0x56: {  	_ =	shalt  }
0x57: {  	_ =	shalt  }
0x58: {  	_ =	shalt  }
0x59: {  	_ =	shalt  }
0x5a: {  	_ =	shalt  }
0x5b: {  	_ =	shalt  }
0x5c: {  	_ =	shalt  }
0x5d: {  	_ =	shalt  }
0x5e: {  	_ =	shalt  }
0x5f: {  	_ =	shalt  }
0x60: {  	_ =	shalt  }
0x61: {  	_ =	shalt  }
0x62: {  	_ =	shalt  }
0x63: {  	_ =	shalt  }
0x64: {  	_ =	shalt  }
0x65: {  	_ =	shalt  }
0x66: {  	_ =	shalt  }
0x67: {  	_ =	shalt  }
0x68: {  	_ =	shalt  }
0x69: {  	_ =	shalt  }
0x6a: {  	_ =	shalt  }
0x6b: {  	_ =	shalt  }
0x6c: {  	_ =	shalt  }
0x6d: {  	_ =	shalt  }
0x6e: {  	_ =	shalt  }
0x6f: {  	_ =	shalt  }
0x70: {  	_ =	shalt  }
0x71: {  	_ =	shalt  }
0x72: {  	_ =	shalt  }
0x73: {  	_ =	shalt  }
0x74: {  	_ =	shalt  }
0x75: {  	_ =	shalt  }
0x76: {  	_ =	shalt  }
0x77: {  	_ =	shalt  }
0x78: {  	_ =	shalt  }
0x79: {  	_ =	shalt  }
0x7a: {  	_ =	shalt  }
0x7b: {  	_ =	shalt  }
0x7c: {  	_ =	shalt  }
0x7d: {  	_ =	shalt  }
0x7e: {  	_ =	shalt  }
0x7f: {  	_ =	shalt  }
0x80: {  	_ =	shalt  }
0x81: {  	_ =	shalt  }
0x82: {  	_ =	shalt  }
0x83: {  	_ =	shalt  }
0x84: {  	_ =	shalt  }
0x85: {  	_ =	shalt  }
0x86: {  	_ =	shalt  }
0x87: {  	_ =	shalt  }
.Lfunc_end0:
.L_simem_size_0:
called_computation_lowered:
.L_overlay_start_0:
0x88: {  	s2 =	sld [smem:$0x3FD9]  }
0x89: {  	s3 =	sld [smem:$0x3FFE];
	_ =	sdelay $0x1  }
0x8a: {  	s1 =	srdreg.scid  }
0x8b: {  	s0 =	sand.u32 $0x1, s1  }
0x8c: {  	s17 =	sshll.u32 s0, $0xA;
	s2 =	sadd.s32 s3, s2  }
0x8d: {  	s2 =	sadd.s32 s2, s17  }
0x8e: {  	[smem:$0x3FC0] =	sst s2  }
0x8f: {  	_ = 	snop  }
0x90: {  	s2 =	sld [smem:$0x3FD0];
	(tm) =	ssettm $0x1  }
0x91: {  	s18 =	sld [smem:$0x3FFB];
	_ =	sdelay $0x3  }
0x92: {  	_ =	strace s18  }
0x93: {  	s3 =	sld [smem:$0x3FFC];
	_ =	sdelay $0x3  }
0x94: {  	_ =	strace s3  }
0x95: {  	s3 =	sld [smem:$0x3FFD];
	_ =	sdelay $0x3  }
0x96: {  	_ =	strace s3  }
0x97: {  	_ =	strace $0x8FFFFFFF  }
0x98: {  	s19 =	sld [smem:$0x3FDB];
	_ =	sdelay $0x1  }
0x99: {  	s4 =	simm.s32 $_scs_section_size  }
0x9a: {  	s5 =	simm.s32 $_size__tile_overlayer_lowered;
	s6 =	simm.s32 $_tile_overlayer_lowered  }
0x9b: {  	s22 =	simm.s32 $0x1BFF;
	s21 =	sshll.u32 s6, $0x1;
	s3 =	sadd.s32 s4, s19  }
0x9c: {  	s7 =	simm.s32 $0x0;
	s20 =	sshll.u32 s5, $0x1;
	s5 =	sadd.s32 s21, s3  }
0x9d: {  	[timem:s7], [sflag:s22] =	dma.local [hbm:s5], s20  }
0x9e: {  	_ =	swait.ge [sflag:s22], s20  }
0x9f: {  	s4 =	ssub.s32 $0x0, s20;
	[sflag:s22] =	ssyncset.done $0x0  }
0xa0: {  	[sflag:s22] =	ssyncadd.s32 s4;
	_ =	sdelay $0x1  }
0xa1: {  	s23 =	simm.s32 $0x1B8B  }
0xa2: {  	_ =	swait.ge [sflag:s23], $0x1  }
0xa3: {  	[sflag:s23] =	ssyncset.done $0x0  }
0xa4: {  	s25 =	simm.s32 $0x1B8E;
	s24 =	sld [smem:$0x3FFE];
	[sflag:s23] =	ssyncadd.s32 $0xFFFFFFFF  }
0xa5: {  	s26 =	simm.s32 $execute0_lowered;
	[smem:$0x3FD2] =	sst s25  }
0xa6: {  	s5 =	sshll.u32 s26, $0x1;
	_ =	strace $0x80000046;
	[dreg:$0x1] =	wrdreg $0xFFFFFFFF  }
0xa7: {  	s28 =	simm.s32 $_size_execute0_lowered;
	s3 =	sadd.s32 s3, s5;
	[dreg:$0x0] =	wrdreg $0x0  }
0xa8: {  	s5 =	sshll.u32 s28, $0x1;
	[dreg:$0x2] =	wrdreg s3  }
0xa9: {  	[dreg:$0x3] =	wrdreg s5  }
0xaa: {  	[dreg:$0x4] =	wrdreg $0xC0  }
0xab: {  	_ =	task [dreg:s7], $0x5FFFF  }
0xac: {  	[dreg:$0x1] =	wrdreg $0xFFFFFFFF  }
0xad: {  	[dreg:$0x0] =	wrdreg $0x60  }
0xae: {  	[dreg:$0x2] =	wrdreg s2  }
0xaf: {  	[dreg:$0x3] =	wrdreg s24  }
0xb0: {  	[dreg:$0x4] =	wrdreg $0x9  }
0xb1: {  	_ =	task.clear_ibuf [dreg:s7], $0x5FFFF;
	_ =	strace $0x90000046  }
0xb2: {  	s29 =	simm.s32 $0x9;
	_ =	strace $0x80000048  }
0xb3: {  	_ =	swait.ge [sflag:s29], $0x1  }
0xb4: {  	[sflag:s29] =	ssyncadd.s32 $0xFFFFFFFF  }
0xb5: {  	_ =	strace $0x90000048  }
0xb6: {  	_ =	sfence  }
0xb7: {  	s30 =	sld [smem:$0x0];
	_ =	sdelay $0x2  }
0xb8: {  	s31 =	sshll.u32 s1, $0xD;
	s1 =	sshrl.u32 s1, $0x2  }
0xb9: {  	s3 =	sand.u32 $0x4000, s31;
	s1 =	sadd.s32 s1, s30  }
0xba: {  	s0 =	sor.u32 s3, s0;
	s1 =	sshll.u32 s1, $0x11  }
0xbb: {  	s0 =	sor.u32 s1, s0  }
0xbc: {  	s0 =	sadd.s32 $0x8F2B, s0  }
0xbd: {  	[sflag:s0] =	ssyncadd.remote.s32 $0x1  }
0xbe: {  	_ =	sfence.sel $0xFFFF  }
0xbf: {  	[dreg:$0x0] =	wrdreg $0xFFFFFFFF;
	(pc) =	sbr.abs _section_cstart, $3  }
0xc0: {  	[dreg:$0x1] =	wrdreg $0xFFFFFFFF  }
0xc1: {  	_ =	task.clear_ibuf [dreg:s7], $0x2FFFF;
	_ =	strace $0x9FFFFFFF  }
0xc2: {  	(tm) =	ssettm $0x7FFFFFFF  }
0xc3: {  	_ =	shalt  }
tec
execute0_lowered:
.L_overlay_start_1:
0x0: {  	(tag) =	ssettag $0x1  }
0x1: {  	s6 =	rddreg [dreg:$0x0]  }
0x2: {  	s7 =	rddreg [dreg:$0x1]  }
0x3: {  	s0 =	rddreg [dreg:$0x2];
	s3 =	srdreg.scid  }
0x4: {  	s2 =	simm.s32 $0x0;
	s1 =	stileid.u32;
	s13 =	simm.s32 $0x1100  }
0x5: {  	s14 =	simm.s32 $0x1900;
	s15 =	simm.s32 $0x2100;
	s16 =	simm.s32 $0x2900  }
0x6: {  	s17 =	simm.s32 $0x3100;
	s18 =	simm.s32 $0x3900;
	s19 =	simm.s32 $0x4100  }
0x7: {  	s20 =	simm.s32 $0x4900;
	s21 =	simm.s32 $0x5100;
	s22 =	simm.s32 $0x5900  }
0x8: {  	s23 =	simm.s32 $0x6100;
	s24 =	simm.s32 $0x6900;
	s25 =	simm.s32 $0x7100  }
0x9: {  	s26 =	simm.s32 $0x7900;
	s28 =	simm.s32 $0x1;
	s4 =	sand.u32 $0x1, s3  }
0xa: {  	[smem:$0x7FF] =	sst s2;
	s29 =	sshll.u32 s1, $0x7;
	s8 =	sadd.s32 $0x1E00, s7  }
0xb: {  	s3 =	sadd.s32 $0x2000, s7;
	s5 =	sshll.u32 s4, $0x6;
	s4 =	ssub.s32 $0x2, s4  }
0xc: {  	s7 =	sadd.s32 $0x2100, s7;
	s9 =	sor.u32 s5, s29;
	s11 =	sshrl.u32 s4, $0x1  }
0xd: {  	_ =	strace $0x80000047;
	s10 =	sshll.u32 s9, $0x1;
	s11 =	ssub.s32 s4, s11  }
0xe: {  	s9 =	sshll.u32 s9, $0x6;
	s12 =	sand.u32 $0xF00, s10;
	s10 =	sor.u32 s5, s10  }
0xf: {  	s6 =	sadd.s32 s6, s9;
	s9 =	simm.s32 $0x2;
	s30 =	sor.u32 s5, s12  }
0x10: {  	v2 =	vlaneseq.u32;
	s31 =	sshrl.u32 s10, $0x3;
	s10 =	simm.s32 $0x80;
	s4 =	sshrl.u32 s30, $0x3  }
0x11: {  	vm0 =	vmmov $0xffff;
	v1 =	vshrl.u32 v2, $0x3;
	s12 =	simm.s32 $0x900;
	s5 =	sor.u32 $0x10, s31;
	s4 =	sadd.s32 s8, s4  }
0x12: {  	v0 =	vand.u32 $0x7, v2;
	v2 =	vor.u32 $0x8, v2;
	v1 =	vmul.u32 $0x8, v1;
	s5 =	sadd.s32 s8, s5;
	s8 =	smax.u32 s11, $0x1;
	s11 =	simm.s32 $0x100  }
.LBB2_1:
0x13: {  	[tilespmem:s2], [sflag:$0x2] =	stream.linear.gather [hbm4b:s4+s2], $0x40, $0x38;
	[tilespmem:$0x8100] =	vst v63  }
0x14: {  	_ =	swait.ge [sflag:s9], $0x40  }
0x15: {  	[sflag:s9] =	ssyncset.done $0x0  }
0x16: {  	[sflag:s9] =	ssyncadd.s32 $0xFFFFFFC0  }
0x17: {  	[tilespmem:s10], [sflag:$0x2] =	stream.linear.gather [hbm4b:s5+s2], $0x40, $0x38;
	[tilespmem:$0x8100] =	vst v63  }
0x18: {  	_ =	swait.ge [sflag:s9], $0x40  }
0x19: {  	[sflag:s9] =	ssyncset.done $0x0  }
0x1a: {  	[sflag:s9] =	ssyncadd.s32 $0xFFFFFFC0  }
0x1b: {  	[tilespmem:s11], [sflag:$0x2] =	stream.linear.gather [hbm4b:s6+s2], $0x8000, $0x38;
	[tilespmem:$0x8100] =	vst v63  }
0x1c: {  	_ =	swait.ge [sflag:s9], $0x8000  }
0x1d: {  	[sflag:s9] =	ssyncset.done $0x0  }
0x1e: {  	[sflag:s9] =	ssyncadd.s32 $0xFFFF8000  }
0x1f: {  	v3 =	vld [tilespmem:$0x0];
	_ =	sdelay $0x4  }
0x20: {  	v4 =	vshll.u32 v3, $0x2  }
0x21: {  	v3 =	vand.u32 $0x7, v3;
	v4 =	vand.u32 $0xFFFFFFE0, v4  }
0x22: {  	v3 =	vor.u32 v3, v4  }
0x23: {  	v4 =	vperm.xlane v3, v0;
	_ =	sdelay $0x1  }
0x24: {  	v4 =	vadd.s32 v1, v4;
	_ =	sdelay $0x1  }
0x25: {  	v3 =	vperm.xlane v3, v2;
	_ =	sdelay $0x1  }
0x26: {  	v3 =	vadd.s32 v1, v3  }
0x27: {  	[hbm4b:s3+s2] =	stream.indirect_vreg.scatter [tilespmem:s11], [sflag:$0x1], $0x80, v4, vm0, $0xb8;
	[tilespmem:$0x8100] =	vst v63  }
0x28: {  	_ = 	snop  }
0x29: {  	[hbm4b:s7+s2] =	stream.indirect_vreg.scatter [tilespmem:s12], [sflag:$0x1], $0x80, v4, vm0, $0xb8;
	[tilespmem:$0x8100] =	vst v63  }
0x2a: {  	_ = 	snop  }
0x2b: {  	[hbm4b:s3+s2] =	stream.indirect_vreg.scatter [tilespmem:s13], [sflag:$0x1], $0x80, v3, vm0, $0xb8;
	[tilespmem:$0x8100] =	vst v63  }
0x2c: {  	_ = 	snop  }
0x2d: {  	[hbm4b:s7+s2] =	stream.indirect_vreg.scatter [tilespmem:s14], [sflag:$0x1], $0x80, v3, vm0, $0xb8;
	[tilespmem:$0x8100] =	vst v63  }
0x2e: {  	v3 =	vld [tilespmem:$0x10];
	_ =	sdelay $0x4  }
0x2f: {  	v57 =	vshll.u32 v3, $0x2  }
0x30: {  	v3 =	vand.u32 $0x7, v3;
	v4 =	vand.u32 $0xFFFFFFE0, v57  }
0x31: {  	v3 =	vor.u32 v3, v4  }
0x32: {  	v4 =	vperm.xlane v3, v0;
	_ =	sdelay $0x1  }
0x33: {  	v4 =	vadd.s32 v1, v4;
	_ =	sdelay $0x1  }
0x34: {  	v3 =	vperm.xlane v3, v2;
	_ =	sdelay $0x1  }
0x35: {  	v3 =	vadd.s32 v1, v3  }
0x36: {  	[hbm4b:s3+s2] =	stream.indirect_vreg.scatter [tilespmem:s15], [sflag:$0x1], $0x80, v4, vm0, $0xb8;
	[tilespmem:$0x8100] =	vst v63  }
0x37: {  	_ = 	snop  }
0x38: {  	[hbm4b:s7+s2] =	stream.indirect_vreg.scatter [tilespmem:s16], [sflag:$0x1], $0x80, v4, vm0, $0xb8;
	[tilespmem:$0x8100] =	vst v63  }
0x39: {  	_ = 	snop  }
0x3a: {  	[hbm4b:s3+s2] =	stream.indirect_vreg.scatter [tilespmem:s17], [sflag:$0x1], $0x80, v3, vm0, $0xb8;
	[tilespmem:$0x8100] =	vst v63  }
0x3b: {  	_ = 	snop  }
0x3c: {  	[hbm4b:s7+s2] =	stream.indirect_vreg.scatter [tilespmem:s18], [sflag:$0x1], $0x80, v3, vm0, $0xb8;
	[tilespmem:$0x8100] =	vst v63  }
0x3d: {  	v3 =	vld [tilespmem:$0x20];
	_ =	sdelay $0x4  }
0x3e: {  	v58 =	vshll.u32 v3, $0x2  }
0x3f: {  	v3 =	vand.u32 $0x7, v3;
	v4 =	vand.u32 $0xFFFFFFE0, v58  }
0x40: {  	v3 =	vor.u32 v3, v4  }
0x41: {  	v4 =	vperm.xlane v3, v0;
	_ =	sdelay $0x1  }
0x42: {  	v4 =	vadd.s32 v1, v4;
	_ =	sdelay $0x1  }
0x43: {  	v3 =	vperm.xlane v3, v2;
	_ =	sdelay $0x1  }
0x44: {  	v3 =	vadd.s32 v1, v3  }
0x45: {  	[hbm4b:s3+s2] =	stream.indirect_vreg.scatter [tilespmem:s19], [sflag:$0x1], $0x80, v4, vm0, $0xb8;
	[tilespmem:$0x8100] =	vst v63  }
0x46: {  	_ = 	snop  }
0x47: {  	[hbm4b:s7+s2] =	stream.indirect_vreg.scatter [tilespmem:s20], [sflag:$0x1], $0x80, v4, vm0, $0xb8;
	[tilespmem:$0x8100] =	vst v63  }
0x48: {  	_ = 	snop  }
0x49: {  	[hbm4b:s3+s2] =	stream.indirect_vreg.scatter [tilespmem:s21], [sflag:$0x1], $0x80, v3, vm0, $0xb8;
	[tilespmem:$0x8100] =	vst v63  }
0x4a: {  	_ = 	snop  }
0x4b: {  	[hbm4b:s7+s2] =	stream.indirect_vreg.scatter [tilespmem:s22], [sflag:$0x1], $0x80, v3, vm0, $0xb8;
	[tilespmem:$0x8100] =	vst v63  }
0x4c: {  	v3 =	vld [tilespmem:$0x30];
	_ =	sdelay $0x4  }
0x4d: {  	v59 =	vshll.u32 v3, $0x2  }
0x4e: {  	v3 =	vand.u32 $0x7, v3;
	v4 =	vand.u32 $0xFFFFFFE0, v59  }
0x4f: {  	v3 =	vor.u32 v3, v4  }
0x50: {  	v4 =	vperm.xlane v3, v0;
	_ =	sdelay $0x1  }
0x51: {  	v4 =	vadd.s32 v1, v4;
	_ =	sdelay $0x1  }
0x52: {  	v3 =	vperm.xlane v3, v2;
	_ =	sdelay $0x1  }
0x53: {  	v3 =	vadd.s32 v1, v3  }
0x54: {  	[hbm4b:s3+s2] =	stream.indirect_vreg.scatter [tilespmem:s23], [sflag:$0x1], $0x80, v4, vm0, $0xb8;
	[tilespmem:$0x8100] =	vst v63  }
0x55: {  	_ = 	snop  }
0x56: {  	[hbm4b:s7+s2] =	stream.indirect_vreg.scatter [tilespmem:s24], [sflag:$0x1], $0x80, v4, vm0, $0xb8;
	[tilespmem:$0x8100] =	vst v63  }
0x57: {  	_ = 	snop  }
0x58: {  	[hbm4b:s3+s2] =	stream.indirect_vreg.scatter [tilespmem:s25], [sflag:$0x1], $0x80, v3, vm0, $0xb8;
	[tilespmem:$0x8100] =	vst v63  }
0x59: {  	_ = 	snop  }
0x5a: {  	[hbm4b:s7+s2] =	stream.indirect_vreg.scatter [tilespmem:s26], [sflag:$0x1], $0x80, v3, vm0, $0xb8;
	[tilespmem:$0x8100] =	vst v63  }
0x5b: {  	_ =	swait.ge [sflag:s28], $0x8000  }
0x5c: {  	[sflag:s28] =	ssyncset.done $0x0  }
0x5d: {  	[sflag:s28] =	ssyncadd.s32 $0xFFFF8000  }
0x5e: {  	v3 =	vld [tilespmem:$0x80];
	_ =	sdelay $0x4  }
0x5f: {  	v60 =	vshll.u32 v3, $0x2  }
0x60: {  	v3 =	vand.u32 $0x7, v3;
	v4 =	vand.u32 $0xFFFFFFE0, v60  }
0x61: {  	v3 =	vor.u32 v3, v4  }
0x62: {  	v4 =	vperm.xlane v3, v0;
	_ =	sdelay $0x1  }
0x63: {  	v4 =	vadd.s32 v1, v4;
	_ =	sdelay $0x1  }
0x64: {  	v3 =	vperm.xlane v3, v2;
	_ =	sdelay $0x1  }
0x65: {  	v3 =	vadd.s32 v1, v3  }
0x66: {  	[hbm4b:s3+s2] =	stream.indirect_vreg.scatter [tilespmem:s11], [sflag:$0x1], $0x80, v4, vm0, $0xb8;
	[tilespmem:$0x8100] =	vst v63  }
0x67: {  	_ = 	snop  }
0x68: {  	[hbm4b:s7+s2] =	stream.indirect_vreg.scatter [tilespmem:s12], [sflag:$0x1], $0x80, v4, vm0, $0xb8;
	[tilespmem:$0x8100] =	vst v63  }
0x69: {  	_ = 	snop  }
0x6a: {  	[hbm4b:s3+s2] =	stream.indirect_vreg.scatter [tilespmem:s13], [sflag:$0x1], $0x80, v3, vm0, $0xb8;
	[tilespmem:$0x8100] =	vst v63  }
0x6b: {  	_ = 	snop  }
0x6c: {  	[hbm4b:s7+s2] =	stream.indirect_vreg.scatter [tilespmem:s14], [sflag:$0x1], $0x80, v3, vm0, $0xb8;
	[tilespmem:$0x8100] =	vst v63  }
0x6d: {  	v3 =	vld [tilespmem:$0x90];
	_ =	sdelay $0x4  }
0x6e: {  	v61 =	vshll.u32 v3, $0x2  }
0x6f: {  	v3 =	vand.u32 $0x7, v3;
	v4 =	vand.u32 $0xFFFFFFE0, v61  }
0x70: {  	v3 =	vor.u32 v3, v4  }
0x71: {  	v4 =	vperm.xlane v3, v0;
	_ =	sdelay $0x1  }
0x72: {  	v4 =	vadd.s32 v1, v4;
	_ =	sdelay $0x1  }
0x73: {  	v3 =	vperm.xlane v3, v2;
	_ =	sdelay $0x1  }
0x74: {  	v3 =	vadd.s32 v1, v3  }
0x75: {  	[hbm4b:s3+s2] =	stream.indirect_vreg.scatter [tilespmem:s15], [sflag:$0x1], $0x80, v4, vm0, $0xb8;
	[tilespmem:$0x8100] =	vst v63  }
0x76: {  	_ = 	snop  }
0x77: {  	[hbm4b:s7+s2] =	stream.indirect_vreg.scatter [tilespmem:s16], [sflag:$0x1], $0x80, v4, vm0, $0xb8;
	[tilespmem:$0x8100] =	vst v63  }
0x78: {  	_ = 	snop  }
0x79: {  	[hbm4b:s3+s2] =	stream.indirect_vreg.scatter [tilespmem:s17], [sflag:$0x1], $0x80, v3, vm0, $0xb8;
	[tilespmem:$0x8100] =	vst v63  }
0x7a: {  	_ = 	snop  }
0x7b: {  	[hbm4b:s7+s2] =	stream.indirect_vreg.scatter [tilespmem:s18], [sflag:$0x1], $0x80, v3, vm0, $0xb8;
	[tilespmem:$0x8100] =	vst v63  }
0x7c: {  	v3 =	vld [tilespmem:$0xA0];
	_ =	sdelay $0x4  }
0x7d: {  	v62 =	vshll.u32 v3, $0x2  }
0x7e: {  	v3 =	vand.u32 $0x7, v3;
	v4 =	vand.u32 $0xFFFFFFE0, v62  }
0x7f: {  	v3 =	vor.u32 v3, v4  }
0x80: {  	v4 =	vperm.xlane v3, v0;
	_ =	sdelay $0x1  }
0x81: {  	v4 =	vadd.s32 v1, v4;
	_ =	sdelay $0x1  }
0x82: {  	v3 =	vperm.xlane v3, v2;
	_ =	sdelay $0x1  }
0x83: {  	v3 =	vadd.s32 v1, v3  }
0x84: {  	[hbm4b:s3+s2] =	stream.indirect_vreg.scatter [tilespmem:s19], [sflag:$0x1], $0x80, v4, vm0, $0xb8;
	[tilespmem:$0x8100] =	vst v63  }
0x85: {  	_ = 	snop  }
0x86: {  	[hbm4b:s7+s2] =	stream.indirect_vreg.scatter [tilespmem:s20], [sflag:$0x1], $0x80, v4, vm0, $0xb8;
	[tilespmem:$0x8100] =	vst v63  }
0x87: {  	_ = 	snop  }
0x88: {  	[hbm4b:s3+s2] =	stream.indirect_vreg.scatter [tilespmem:s21], [sflag:$0x1], $0x80, v3, vm0, $0xb8;
	[tilespmem:$0x8100] =	vst v63  }
0x89: {  	_ = 	snop  }
0x8a: {  	[hbm4b:s7+s2] =	stream.indirect_vreg.scatter [tilespmem:s22], [sflag:$0x1], $0x80, v3, vm0, $0xb8;
	[tilespmem:$0x8100] =	vst v63  }
0x8b: {  	v3 =	vld [tilespmem:$0xB0];
	_ =	sdelay $0x4  }
0x8c: {  	v63 =	vshll.u32 v3, $0x2  }
0x8d: {  	v3 =	vand.u32 $0x7, v3;
	v4 =	vand.u32 $0xFFFFFFE0, v63  }
0x8e: {  	v3 =	vor.u32 v3, v4  }
0x8f: {  	v4 =	vperm.xlane v3, v0;
	_ =	sdelay $0x1  }
0x90: {  	v4 =	vadd.s32 v1, v4;
	_ =	sdelay $0x1  }
0x91: {  	v3 =	vperm.xlane v3, v2;
	_ =	sdelay $0x1  }
0x92: {  	v3 =	vadd.s32 v1, v3  }
0x93: {  	[hbm4b:s3+s2] =	stream.indirect_vreg.scatter [tilespmem:s23], [sflag:$0x1], $0x80, v4, vm0, $0xb8;
	[tilespmem:$0x8100] =	vst v63  }
0x94: {  	_ = 	snop  }
0x95: {  	[hbm4b:s7+s2] =	stream.indirect_vreg.scatter [tilespmem:s24], [sflag:$0x1], $0x80, v4, vm0, $0xb8;
	[tilespmem:$0x8100] =	vst v63  }
0x96: {  	p0 =	sne.s32 s8, $0x1  }
0x97: {  	[hbm4b:s3+s2] =	stream.indirect_vreg.scatter [tilespmem:s25], [sflag:$0x1], $0x80, v3, vm0, $0xb8;
	[tilespmem:$0x8100] =	vst v63  }
.Ltmp0:
0x98: {  	_ = 	snop;
	(pc) =	sbr.rel @p0 .LBB2_1-.Ltmp0, $4  }
0x99: {  	[hbm4b:s7+s2] =	stream.indirect_vreg.scatter [tilespmem:s26], [sflag:$0x1], $0x80, v3, vm0, $0xb8;
	[tilespmem:$0x8100] =	vst v63  }
0x9a: {  	_ =	swait.ge [sflag:s28], $0x8000  }
0x9b: {  	[sflag:s28] =	ssyncset.done $0x0  }
0x9c: {  	s8 =	sadd.s32 $0xFFFFFFFF, s8;
	[sflag:s28] =	ssyncadd.s32 $0xFFFF8000  }
0x9d: {  	_ =	sfence.sel $0x180000  }
0x9e: {  	[bflag:$0x0] =	sbarrier.arrive $0xFFFF  }
0x9f: {  	p0 =	sne.s32 s1, $0x0;
	_ =	strace $0x90000047  }
0xa0: {  	s0 =	sadd.s32 @!p0 $0x100000, s0;
	[bflag:$0x2] =	sbarrier.arrive $0xFFFF  }
0xa1: {  	[sflag:s0] =	ssyncadd.tile.s32 @!p0 $0x1;
	_ =	shalt  }
.Lfunc_end2:
_tile_overlayer_lowered:
.L_overlay_start_2:
0xa2: {  	(tag) =	ssettag $0x2  }
0xa3: {  	s0 =	rddreg [dreg:$0x0];
	s2 =	stileid.u32  }
0xa4: {  	s1 =	rddreg [dreg:$0x1];
	p0 =	sne.s32 s2, $0x0  }
0xa5: {  	s3 =	rddreg [dreg:$0x2];
	[bflag:$0x3] =	sbarrier.arrive $0xFFFF;
	s2 =	simm.s32 @!p0 $0x1C02  }
0xa6: {  	[timem:s3], [sflag:s2] =	dma.local @!p0 [hbm:s0], s1  }
0xa7: {  	s0 =	simm.s32 @!p0 $0x2  }
0xa8: {  	_ =	swait.ge @!p0 [sflag:s0], s1  }
0xa9: {  	s1 =	ssub.s32 @!p0 $0x0, s1;
	[sflag:s0] =	ssyncset.done @!p0 $0x0  }
0xaa: {  	[sflag:s0] =	ssyncadd.s32 @!p0 s1  }
0xab: {  	[bflag:$0x3] =	sbarrier.arrive $0xFFFF  }
0xac: {  	_ =	shalt  }

</sc_bundles>
